<compile_context>
chip_gen: v7x
topology: tpu7x:2x2x1
jax: 0.10.2.dev20260603
libtpu: 0.0.44.dev20260713+nightly
codegen_flags: <defaults>
</compile_context>

<pallas_src>
import dataclasses

import jax
import jax.numpy as jnp
from jax import lax
from jax.experimental import pallas as pl
from jax.experimental.pallas import tpu as pltpu
from jax.experimental.pallas import tpu_sc as plsc

_B, _C, _NS, _K = 8, 256, 16384, 2048
_L = 16
_G = _K // _L
_CPQ = _C // 4
_CH = (13, 14, 15, 4, 5, 6, 7, 8, 9, 10, 11, 12)


def _sc_body(fg, fc, fp, ff, xyz_cm, preds_cm, idx_hbm,
             og, oc, op, of, oxyz_cm, ograsp_cm,
             idx_v, row_v, ob_v):
    cid = lax.axis_index("c")
    sid = lax.axis_index("s")
    wid = sid * 2 + cid
    b = wid // 4
    q = wid % 4

    pltpu.sync_copy(idx_hbm.at[pl.ds(b * _K, _K)], idx_v)

    def gather_row(src_row_ref, dst_row_ref):
        pltpu.sync_copy(src_row_ref, row_v)

        @pl.loop(0, _G)
        def _(g):
            iv = idx_v[pl.ds(g * _L, _L)]
            ob_v[pl.ds(g * _L, _L)] = plsc.load_gather(row_v, [iv])

        pltpu.sync_copy(ob_v, dst_row_ref)

    @pl.when(q == 1)
    def _():
        for d in range(3):
            gather_row(xyz_cm.at[d, b], oxyz_cm.at[d, b])

    @pl.when(q == 2)
    def _():
        for jo, ch in enumerate(_CH):
            gather_row(preds_cm.at[ch, b], ograsp_cm.at[jo, b])

    for feat, out in ((fg, og), (fc, oc), (fp, op), (ff, of)):
        @pl.loop(0, _CPQ)
        def _(r, feat=feat, out=out):
            c = q * _CPQ + r
            gather_row(feat.at[b, c], out.at[b, c])


def kernel(fp2_features, local_grasp_features, local_color_features,
           grasp_pose_feature, fp2_xyz, batch_grasp_preds, seed_idxs):
    idx = seed_idxs.reshape(_B * _K)
    xyz_cm = jnp.transpose(fp2_xyz, (2, 0, 1))
    preds_cm = jnp.transpose(batch_grasp_preds, (2, 0, 1))

    f32 = jnp.float32
    out_type = (
        jax.ShapeDtypeStruct((_B, _C, _K), f32),
        jax.ShapeDtypeStruct((_B, _C, _K), f32),
        jax.ShapeDtypeStruct((_B, _C, _K), f32),
        jax.ShapeDtypeStruct((_B, _C, _K), f32),
        jax.ShapeDtypeStruct((3, _B, _K), f32),
        jax.ShapeDtypeStruct((12, _B, _K), f32),
    )
    scratch = [
        pltpu.VMEM((_K,), jnp.int32),
        pltpu.VMEM((_NS,), f32),
        pltpu.VMEM((_K,), f32),
    ]
    cp = pltpu.CompilerParams()
    if "needs_layout_passes" in pltpu.CompilerParams.__dataclass_fields__:
        cp = dataclasses.replace(cp, needs_layout_passes=False)
    run = pl.kernel(
        _sc_body,
        out_type=out_type,
        mesh=plsc.VectorSubcoreMesh(core_axis_name="c", subcore_axis_name="s"),
        scratch_types=scratch,
        compiler_params=cp,
    )
    og, oc, op, of, oxyz_cm, ograsp_cm = run(
        local_grasp_features, local_color_features, grasp_pose_feature,
        fp2_features, xyz_cm, preds_cm, idx)
    return (og, oc, op, of,
            jnp.transpose(oxyz_cm, (1, 2, 0)),
            jnp.transpose(ograsp_cm, (1, 0, 2)))

# --- scband reference (transcript-rebuilt; emitter-appended) ---
"""Pipeline reference for scband-grasp-process-36155034697857 (READ-ONLY COPY).

The authoritative reference and input builder live on the scoring server;
editing this copy changes nothing except your own understanding.
"""

import jax, jax.numpy as jnp
import numpy as np


def _gather(feats, idx):
    # pointnet2_utils.gather_operation: feats [B, C, N], idx [B, K] -> [B, C, K]
    B, C, N = feats.shape
    K = idx.shape[1]
    return jnp.take_along_axis(feats, jnp.broadcast_to(idx[:, None, :], (B, C, K)), axis=2)


def setup_inputs(seed: int = 0):
    key = jax.random.key(seed)
    ks = jax.random.split(key, 8)
    B, C, Ns, K = 8, 256, 16384, 2048
    return {
        "fp2_features": jax.random.normal(ks[0], (B, C, Ns), dtype=jnp.float32),
        "local_grasp_features": jax.random.normal(ks[1], (B, C, Ns), dtype=jnp.float32),
        "local_color_features": jax.random.normal(ks[2], (B, C, Ns), dtype=jnp.float32),
        "grasp_pose_feature": jax.random.normal(ks[3], (B, C, Ns), dtype=jnp.float32),
        "fp2_xyz": jax.random.normal(ks[4], (B, Ns, 3), dtype=jnp.float32),
        "batch_grasp_preds": jax.random.normal(ks[5], (B, Ns, 17), dtype=jnp.float32),
        "seed_idxs": jax.random.randint(ks[6], (B, 1, K), 0, Ns, dtype=jnp.int32),
    }


def reference(fp2_features, local_grasp_features, local_color_features, grasp_pose_feature, fp2_xyz, batch_grasp_preds, seed_idxs):
    B = fp2_features.shape[0]
    # seed_idxs.view(B, -1) (L == 1 so both views coincide)
    idx = seed_idxs.reshape(B, -1)
    # get_fine_seed_features
    fine_seed_features = _gather(fp2_features, idx)
    selected_grasp_features = _gather(local_grasp_features, idx)
    selected_color_features = _gather(local_color_features, idx)
    selected_grasp_pose_features = _gather(grasp_pose_feature, idx)
    seed_xyz = jnp.transpose(fp2_xyz, (0, 2, 1))
    selected_seed_xyzs = jnp.transpose(_gather(seed_xyz, idx), (0, 2, 1))
    # get_grasp
    preds = jnp.transpose(batch_grasp_preds, (0, 2, 1))
    grasps = _gather(preds, idx)
    grasp_translation = grasps[:, 13:16, :]
    grasp_rotation = grasps[:, 4:13, :]
    selected_grasps = jnp.concatenate([grasp_translation, grasp_rotation], axis=1)
    return (selected_grasp_features, selected_color_features, selected_grasp_pose_features, fine_seed_features, selected_seed_xyzs, selected_grasps)

if __name__ == "__main__":
    import jax
    _d = setup_inputs()
    print(jax.jit(kernel)(*tuple(_d.values())))

</pallas_src>

<mosaic_0001>
#map = affine_map<(d0, d1) -> (0, 0, 0)>
#map1 = affine_map<(d0, d1) -> (0)>
module attributes {stable_mosaic.version = 14 : i64} {
  func.func @_sc_body(%arg0: i32, %arg1: i32, %arg2: memref<8x256x16384xf32, #tpu.memory_space<hbm>>, %arg3: memref<8x256x16384xf32, #tpu.memory_space<hbm>>, %arg4: memref<8x256x16384xf32, #tpu.memory_space<hbm>>, %arg5: memref<8x256x16384xf32, #tpu.memory_space<hbm>>, %arg6: memref<3x8x16384xf32, #tpu.memory_space<hbm>>, %arg7: memref<17x8x16384xf32, #tpu.memory_space<hbm>>, %arg8: memref<16384xi32, #tpu.memory_space<hbm>>, %arg9: memref<8x256x2048xf32, #tpu.memory_space<hbm>>, %arg10: memref<8x256x2048xf32, #tpu.memory_space<hbm>>, %arg11: memref<8x256x2048xf32, #tpu.memory_space<hbm>>, %arg12: memref<8x256x2048xf32, #tpu.memory_space<hbm>>, %arg13: memref<3x8x2048xf32, #tpu.memory_space<hbm>>, %arg14: memref<12x8x2048xf32, #tpu.memory_space<hbm>>, %arg15: memref<2048xi32, #tpu.memory_space<vmem>>, %arg16: memref<16384xf32, #tpu.memory_space<vmem>>, %arg17: memref<2048xf32, #tpu.memory_space<vmem>>) attributes {dimension_semantics = [#tpu.dimension_semantics<core_parallel>, #tpu.dimension_semantics<subcore_parallel>], iteration_bounds = array<i64: 2, 16>, scalar_prefetch = 0 : i64, scratch_operands = 3 : i64, tpu.core_type = #tpu.core_type<sc_vector_subcore>, window_params = [{transform_indices = #map}, {transform_indices = #map}, {transform_indices = #map}, {transform_indices = #map}, {transform_indices = #map}, {transform_indices = #map}, {transform_indices = #map1}, {transform_indices = #map}, {transform_indices = #map}, {transform_indices = #map}, {transform_indices = #map}, {transform_indices = #map}, {transform_indices = #map}]} {
    %mul3A = arith.constant 2 : i32
    %mul3A_0 = arith.muli %arg1, %mul3A : i32
    %add3A = arith.addi %mul3A_0, %arg0 : i32
    %jit3A = arith.constant 4 : i32
    %div3A = arith.divsi %add3A, %jit3A : i32
    %sign3A = arith.constant 0 : i32
    %sign3A_1 = arith.cmpi sgt, %add3A, %sign3A : i32
    %sign3A_2 = arith.extui %sign3A_1 : i1 to i32
    %sign3A_3 = arith.constant 0 : i32
    %sign3A_4 = arith.cmpi slt, %add3A, %sign3A_3 : i32
    %sign3A_5 = arith.extui %sign3A_4 : i1 to i32
    %sign3A_6 = arith.subi %sign3A_2, %sign3A_5 : i32
    %sign3A_7 = arith.constant 0 : i32
    %sign3A_8 = arith.cmpi sgt, %jit3A, %sign3A_7 : i32
    %sign3A_9 = arith.extui %sign3A_8 : i1 to i32
    %sign3A_10 = arith.constant 0 : i32
    %sign3A_11 = arith.cmpi slt, %jit3A, %sign3A_10 : i32
    %sign3A_12 = arith.extui %sign3A_11 : i1 to i32
    %sign3A_13 = arith.subi %sign3A_9, %sign3A_12 : i32
    %ne3A = arith.cmpi ne, %sign3A_6, %sign3A_13 : i32
    %rem3A = arith.remsi %add3A, %jit3A : i32
    %ne3A_14 = arith.constant 0 : i32
    %ne3A_15 = arith.cmpi ne, %rem3A, %ne3A_14 : i32
    %and3A = arith.andi %ne3A, %ne3A_15 : i1
    %sub3A = arith.constant 1 : i32
    %sub3A_16 = arith.subi %div3A, %sub3A : i32
    %select_n3A = arith.select %and3A, %sub3A_16, %div3A : i32
    %jit3A_17 = arith.constant 4 : i32
    %eq3A = arith.constant 0 : i32
    %eq3A_18 = arith.cmpi eq, %jit3A_17, %eq3A : i32
    %jit3A_19 = arith.constant 1 : i32
    %select_n3A_20 = arith.select %eq3A_18, %jit3A_19, %jit3A_17 : i32
    %rem3A_21 = arith.remsi %add3A, %select_n3A_20 : i32
    %ne3A_22 = arith.constant 0 : i32
    %ne3A_23 = arith.cmpi ne, %rem3A_21, %ne3A_22 : i32
    %lt3A = arith.constant 0 : i32
    %lt3A_24 = arith.cmpi slt, %rem3A_21, %lt3A : i32
    %lt3A_25 = arith.constant 0 : i32
    %lt3A_26 = arith.cmpi slt, %select_n3A_20, %lt3A_25 : i32
    %ne3A_27 = arith.xori %lt3A_24, %lt3A_26 : i1
    %and3A_28 = arith.andi %ne3A_27, %ne3A_23 : i1
    %add3A_29 = arith.addi %rem3A_21, %select_n3A_20 : i32
    %select_n3A_30 = arith.select %and3A_28, %add3A_29, %rem3A_21 : i32
    %mul3A_31 = arith.constant 2048 : i32
    %mul3A_32 = arith.muli %select_n3A, %mul3A_31 : i32
    "tpu.region"() ({
      %run_scoped3A = tpu.sem_alloc : memref<!tpu.dma_semaphore, #tpu.memory_space<semaphore_mem>>
      %dma_start3A = tpu.memref_slice %arg8[%mul3A_32] : memref<16384xi32, #tpu.memory_space<hbm>> -> memref<2048xi32, #tpu.memory_space<hbm>>
      %dma_start3A_60 = tpu.memref_slice %arg8[%mul3A_32] : memref<16384xi32, #tpu.memory_space<hbm>> -> memref<2048xi32, #tpu.memory_space<hbm>>
      tpu.enqueue_dma source(%dma_start3A_60 : memref<2048xi32, #tpu.memory_space<hbm>>) target(%arg15 : memref<2048xi32, #tpu.memory_space<vmem>>) target_semaphore(%run_scoped3A : memref<!tpu.dma_semaphore, #tpu.memory_space<semaphore_mem>>)
      %dma_wait3A = tpu.memref_slice %arg8[%mul3A_32] : memref<16384xi32, #tpu.memory_space<hbm>> -> memref<2048xi32, #tpu.memory_space<hbm>>
      %dma_wait3A_61 = tpu.memref_slice %arg8[%mul3A_32] : memref<16384xi32, #tpu.memory_space<hbm>> -> memref<2048xi32, #tpu.memory_space<hbm>>
      tpu.wait_dma2 semaphore(%run_scoped3A : memref<!tpu.dma_semaphore, #tpu.memory_space<semaphore_mem>>) src(%dma_wait3A_61 : memref<2048xi32, #tpu.memory_space<hbm>>) dst(%arg15 : memref<2048xi32, #tpu.memory_space<vmem>>)
      tpu.yield
    }) : () -> ()
    %eq3A_33 = arith.constant 1 : i32
    %eq3A_34 = arith.cmpi eq, %select_n3A_30, %eq3A_33 : i32
    %convert_element_type3A = arith.extui %eq3A_34 : i1 to i32
    %cond3A = arith.constant 0 : i32
    %cond3A_35 = arith.cmpi ne, %convert_element_type3A, %cond3A : i32
    scf.if %cond3A_35 {
      %run_scoped3A = arith.constant 0 : i32
      "tpu.region"() ({
        %run_scoped3A_80 = tpu.sem_alloc : memref<!tpu.dma_semaphore, #tpu.memory_space<semaphore_mem>>
        %dma_start3A = arith.constant 0 : i32
        %dma_start3A_81 = tpu.memref_slice %arg6[%run_scoped3A, %select_n3A, %dma_start3A] : memref<3x8x16384xf32, #tpu.memory_space<hbm>> -> memref<1x1x16384xf32, #tpu.memory_space<hbm>>
        %dma_start3A_82 = tpu.memref_squeeze %dma_start3A_81 : memref<1x1x16384xf32, #tpu.memory_space<hbm>> -> memref<16384xf32, #tpu.memory_space<hbm>>
        %dma_start3A_83 = arith.constant 0 : i32
        %dma_start3A_84 = tpu.memref_slice %arg6[%run_scoped3A, %select_n3A, %dma_start3A_83] : memref<3x8x16384xf32, #tpu.memory_space<hbm>> -> memref<1x1x16384xf32, #tpu.memory_space<hbm>>
        %dma_start3A_85 = tpu.memref_squeeze %dma_start3A_84 : memref<1x1x16384xf32, #tpu.memory_space<hbm>> -> memref<16384xf32, #tpu.memory_space<hbm>>
        tpu.enqueue_dma source(%dma_start3A_85 : memref<16384xf32, #tpu.memory_space<hbm>>) target(%arg16 : memref<16384xf32, #tpu.memory_space<vmem>>) target_semaphore(%run_scoped3A_80 : memref<!tpu.dma_semaphore, #tpu.memory_space<semaphore_mem>>)
        %dma_wait3A = arith.constant 0 : i32
        %dma_wait3A_86 = tpu.memref_slice %arg6[%run_scoped3A, %select_n3A, %dma_wait3A] : memref<3x8x16384xf32, #tpu.memory_space<hbm>> -> memref<1x1x16384xf32, #tpu.memory_space<hbm>>
        %dma_wait3A_87 = tpu.memref_squeeze %dma_wait3A_86 : memref<1x1x16384xf32, #tpu.memory_space<hbm>> -> memref<16384xf32, #tpu.memory_space<hbm>>
        %dma_wait3A_88 = arith.constant 0 : i32
        %dma_wait3A_89 = tpu.memref_slice %arg6[%run_scoped3A, %select_n3A, %dma_wait3A_88] : memref<3x8x16384xf32, #tpu.memory_space<hbm>> -> memref<1x1x16384xf32, #tpu.memory_space<hbm>>
        %dma_wait3A_90 = tpu.memref_squeeze %dma_wait3A_89 : memref<1x1x16384xf32, #tpu.memory_space<hbm>> -> memref<16384xf32, #tpu.memory_space<hbm>>
        tpu.wait_dma2 semaphore(%run_scoped3A_80 : memref<!tpu.dma_semaphore, #tpu.memory_space<semaphore_mem>>) src(%dma_wait3A_90 : memref<16384xf32, #tpu.memory_space<hbm>>) dst(%arg16 : memref<16384xf32, #tpu.memory_space<vmem>>)
        tpu.yield
      }) : () -> ()
      %scan3A_60 = arith.constant 0 : i32
      %scan3A_61 = arith.constant 128 : i32
      %scan3A_62 = arith.addi %scan3A_60, %scan3A_61 : i32
      %scan3A_63 = arith.constant 1 : i32
      scf.for %scan3A_80 = %scan3A_60 to %scan3A_62 step %scan3A_63  : i32 {
        %mul3A_81 = arith.constant 1 : i32
        %mul3A_82 = arith.muli %scan3A_80, %mul3A_81 : i32
        %add3A_83 = arith.constant 0 : i32
        %add3A_84 = arith.addi %add3A_83, %mul3A_82 : i32
        %mul3A_85 = arith.constant 16 : i32
        %mul3A_86 = arith.muli %add3A_84, %mul3A_85 : i32
        %get3A = arith.index_cast %mul3A_86 : i32 to index
        %get3A_87 = tpu.vector_load %arg15[%get3A] {strides = array<i32>} : memref<2048xi32, #tpu.memory_space<vmem>>, vector<16xi32>,
        %gather3A = tpu.vector_load_idx %arg16[%get3A_87] : memref<16384xf32, #tpu.memory_space<vmem>>[vector<16xi32>], vector<16xf32>,
        %mul3A_88 = arith.constant 16 : i32
        %mul3A_89 = arith.muli %add3A_84, %mul3A_88 : i32
        %swap3A = arith.index_cast %mul3A_89 : i32 to index
        %swap3A_90 = tpu.vector_load %arg17[%swap3A] {strides = array<i32>} : memref<2048xf32, #tpu.memory_space<vmem>>, vector<16xf32>,
        tpu.vector_store %arg17[%swap3A], %gather3A {strides = array<i32>} : memref<2048xf32, #tpu.memory_space<vmem>>, vector<16xf32>,
      }
      %scan3A_64 = arith.constant 128 : i32
      %run_scoped3A_65 = arith.constant 0 : i32
      "tpu.region"() ({
        %run_scoped3A_80 = tpu.sem_alloc : memref<!tpu.dma_semaphore, #tpu.memory_space<semaphore_mem>>
        %dma_start3A = arith.constant 0 : i32
        %dma_start3A_81 = tpu.memref_slice %arg13[%run_scoped3A_65, %select_n3A, %dma_start3A] : memref<3x8x2048xf32, #tpu.memory_space<hbm>> -> memref<1x1x2048xf32, #tpu.memory_space<hbm>>
        %dma_start3A_82 = tpu.memref_squeeze %dma_start3A_81 : memref<1x1x2048xf32, #tpu.memory_space<hbm>> -> memref<2048xf32, #tpu.memory_space<hbm>>
        %dma_start3A_83 = arith.constant 0 : i32
        %dma_start3A_84 = tpu.memref_slice %arg13[%run_scoped3A_65, %select_n3A, %dma_start3A_83] : memref<3x8x2048xf32, #tpu.memory_space<hbm>> -> memref<1x1x2048xf32, #tpu.memory_space<hbm>>
        %dma_start3A_85 = tpu.memref_squeeze %dma_start3A_84 : memref<1x1x2048xf32, #tpu.memory_space<hbm>> -> memref<2048xf32, #tpu.memory_space<hbm>>
        tpu.enqueue_dma source(%arg17 : memref<2048xf32, #tpu.memory_space<vmem>>) target(%dma_start3A_85 : memref<2048xf32, #tpu.memory_space<hbm>>) target_semaphore(%run_scoped3A_80 : memref<!tpu.dma_semaphore, #tpu.memory_space<semaphore_mem>>)
        %dma_wait3A = arith.constant 0 : i32
        %dma_wait3A_86 = tpu.memref_slice %arg13[%run_scoped3A_65, %select_n3A, %dma_wait3A] : memref<3x8x2048xf32, #tpu.memory_space<hbm>> -> memref<1x1x2048xf32, #tpu.memory_space<hbm>>
        %dma_wait3A_87 = tpu.memref_squeeze %dma_wait3A_86 : memref<1x1x2048xf32, #tpu.memory_space<hbm>> -> memref<2048xf32, #tpu.memory_space<hbm>>
        %dma_wait3A_88 = arith.constant 0 : i32
        %dma_wait3A_89 = tpu.memref_slice %arg13[%run_scoped3A_65, %select_n3A, %dma_wait3A_88] : memref<3x8x2048xf32, #tpu.memory_space<hbm>> -> memref<1x1x2048xf32, #tpu.memory_space<hbm>>
        %dma_wait3A_90 = tpu.memref_squeeze %dma_wait3A_89 : memref<1x1x2048xf32, #tpu.memory_space<hbm>> -> memref<2048xf32, #tpu.memory_space<hbm>>
        tpu.wait_dma2 semaphore(%run_scoped3A_80 : memref<!tpu.dma_semaphore, #tpu.memory_space<semaphore_mem>>) src(%arg17 : memref<2048xf32, #tpu.memory_space<vmem>>) dst(%dma_wait3A_90 : memref<2048xf32, #tpu.memory_space<hbm>>)
        tpu.yield
      }) : () -> ()
      %run_scoped3A_66 = arith.constant 1 : i32
      "tpu.region"() ({
        %run_scoped3A_80 = tpu.sem_alloc : memref<!tpu.dma_semaphore, #tpu.memory_space<semaphore_mem>>
        %dma_start3A = arith.constant 0 : i32
        %dma_start3A_81 = tpu.memref_slice %arg6[%run_scoped3A_66, %select_n3A, %dma_start3A] : memref<3x8x16384xf32, #tpu.memory_space<hbm>> -> memref<1x1x16384xf32, #tpu.memory_space<hbm>>
        %dma_start3A_82 = tpu.memref_squeeze %dma_start3A_81 : memref<1x1x16384xf32, #tpu.memory_space<hbm>> -> memref<16384xf32, #tpu.memory_space<hbm>>
        %dma_start3A_83 = arith.constant 0 : i32
        %dma_start3A_84 = tpu.memref_slice %arg6[%run_scoped3A_66, %select_n3A, %dma_start3A_83] : memref<3x8x16384xf32, #tpu.memory_space<hbm>> -> memref<1x1x16384xf32, #tpu.memory_space<hbm>>
        %dma_start3A_85 = tpu.memref_squeeze %dma_start3A_84 : memref<1x1x16384xf32, #tpu.memory_space<hbm>> -> memref<16384xf32, #tpu.memory_space<hbm>>
        tpu.enqueue_dma source(%dma_start3A_85 : memref<16384xf32, #tpu.memory_space<hbm>>) target(%arg16 : memref<16384xf32, #tpu.memory_space<vmem>>) target_semaphore(%run_scoped3A_80 : memref<!tpu.dma_semaphore, #tpu.memory_space<semaphore_mem>>)
        %dma_wait3A = arith.constant 0 : i32
        %dma_wait3A_86 = tpu.memref_slice %arg6[%run_scoped3A_66, %select_n3A, %dma_wait3A] : memref<3x8x16384xf32, #tpu.memory_space<hbm>> -> memref<1x1x16384xf32, #tpu.memory_space<hbm>>
        %dma_wait3A_87 = tpu.memref_squeeze %dma_wait3A_86 : memref<1x1x16384xf32, #tpu.memory_space<hbm>> -> memref<16384xf32, #tpu.memory_space<hbm>>
        %dma_wait3A_88 = arith.constant 0 : i32
        %dma_wait3A_89 = tpu.memref_slice %arg6[%run_scoped3A_66, %select_n3A, %dma_wait3A_88] : memref<3x8x16384xf32, #tpu.memory_space<hbm>> -> memref<1x1x16384xf32, #tpu.memory_space<hbm>>
        %dma_wait3A_90 = tpu.memref_squeeze %dma_wait3A_89 : memref<1x1x16384xf32, #tpu.memory_space<hbm>> -> memref<16384xf32, #tpu.memory_space<hbm>>
        tpu.wait_dma2 semaphore(%run_scoped3A_80 : memref<!tpu.dma_semaphore, #tpu.memory_space<semaphore_mem>>) src(%dma_wait3A_90 : memref<16384xf32, #tpu.memory_space<hbm>>) dst(%arg16 : memref<16384xf32, #tpu.memory_space<vmem>>)
        tpu.yield
      }) : () -> ()
      %scan3A_67 = arith.constant 0 : i32
      %scan3A_68 = arith.constant 128 : i32
      %scan3A_69 = arith.addi %scan3A_67, %scan3A_68 : i32
      %scan3A_70 = arith.constant 1 : i32
      scf.for %scan3A_80 = %scan3A_67 to %scan3A_69 step %scan3A_70  : i32 {
        %mul3A_81 = arith.constant 1 : i32
        %mul3A_82 = arith.muli %scan3A_80, %mul3A_81 : i32
        %add3A_83 = arith.constant 0 : i32
        %add3A_84 = arith.addi %add3A_83, %mul3A_82 : i32
        %mul3A_85 = arith.constant 16 : i32
        %mul3A_86 = arith.muli %add3A_84, %mul3A_85 : i32
        %get3A = arith.index_cast %mul3A_86 : i32 to index
        %get3A_87 = tpu.vector_load %arg15[%get3A] {strides = array<i32>} : memref<2048xi32, #tpu.memory_space<vmem>>, vector<16xi32>,
        %gather3A = tpu.vector_load_idx %arg16[%get3A_87] : memref<16384xf32, #tpu.memory_space<vmem>>[vector<16xi32>], vector<16xf32>,
        %mul3A_88 = arith.constant 16 : i32
        %mul3A_89 = arith.muli %add3A_84, %mul3A_88 : i32
        %swap3A = arith.index_cast %mul3A_89 : i32 to index
        %swap3A_90 = tpu.vector_load %arg17[%swap3A] {strides = array<i32>} : memref<2048xf32, #tpu.memory_space<vmem>>, vector<16xf32>,
        tpu.vector_store %arg17[%swap3A], %gather3A {strides = array<i32>} : memref<2048xf32, #tpu.memory_space<vmem>>, vector<16xf32>,
      }
      %scan3A_71 = arith.constant 128 : i32
      %run_scoped3A_72 = arith.constant 1 : i32
      "tpu.region"() ({
        %run_scoped3A_80 = tpu.sem_alloc : memref<!tpu.dma_semaphore, #tpu.memory_space<semaphore_mem>>
        %dma_start3A = arith.constant 0 : i32
        %dma_start3A_81 = tpu.memref_slice %arg13[%run_scoped3A_72, %select_n3A, %dma_start3A] : memref<3x8x2048xf32, #tpu.memory_space<hbm>> -> memref<1x1x2048xf32, #tpu.memory_space<hbm>>
        %dma_start3A_82 = tpu.memref_squeeze %dma_start3A_81 : memref<1x1x2048xf32, #tpu.memory_space<hbm>> -> memref<2048xf32, #tpu.memory_space<hbm>>
        %dma_start3A_83 = arith.constant 0 : i32
        %dma_start3A_84 = tpu.memref_slice %arg13[%run_scoped3A_72, %select_n3A, %dma_start3A_83] : memref<3x8x2048xf32, #tpu.memory_space<hbm>> -> memref<1x1x2048xf32, #tpu.memory_space<hbm>>
        %dma_start3A_85 = tpu.memref_squeeze %dma_start3A_84 : memref<1x1x2048xf32, #tpu.memory_space<hbm>> -> memref<2048xf32, #tpu.memory_space<hbm>>
        tpu.enqueue_dma source(%arg17 : memref<2048xf32, #tpu.memory_space<vmem>>) target(%dma_start3A_85 : memref<2048xf32, #tpu.memory_space<hbm>>) target_semaphore(%run_scoped3A_80 : memref<!tpu.dma_semaphore, #tpu.memory_space<semaphore_mem>>)
        %dma_wait3A = arith.constant 0 : i32
        %dma_wait3A_86 = tpu.memref_slice %arg13[%run_scoped3A_72, %select_n3A, %dma_wait3A] : memref<3x8x2048xf32, #tpu.memory_space<hbm>> -> memref<1x1x2048xf32, #tpu.memory_space<hbm>>
        %dma_wait3A_87 = tpu.memref_squeeze %dma_wait3A_86 : memref<1x1x2048xf32, #tpu.memory_space<hbm>> -> memref<2048xf32, #tpu.memory_space<hbm>>
        %dma_wait3A_88 = arith.constant 0 : i32
        %dma_wait3A_89 = tpu.memref_slice %arg13[%run_scoped3A_72, %select_n3A, %dma_wait3A_88] : memref<3x8x2048xf32, #tpu.memory_space<hbm>> -> memref<1x1x2048xf32, #tpu.memory_space<hbm>>
        %dma_wait3A_90 = tpu.memref_squeeze %dma_wait3A_89 : memref<1x1x2048xf32, #tpu.memory_space<hbm>> -> memref<2048xf32, #tpu.memory_space<hbm>>
        tpu.wait_dma2 semaphore(%run_scoped3A_80 : memref<!tpu.dma_semaphore, #tpu.memory_space<semaphore_mem>>) src(%arg17 : memref<2048xf32, #tpu.memory_space<vmem>>) dst(%dma_wait3A_90 : memref<2048xf32, #tpu.memory_space<hbm>>)
        tpu.yield
      }) : () -> ()
      %run_scoped3A_73 = arith.constant 2 : i32
      "tpu.region"() ({
        %run_scoped3A_80 = tpu.sem_alloc : memref<!tpu.dma_semaphore, #tpu.memory_space<semaphore_mem>>
        %dma_start3A = arith.constant 0 : i32
        %dma_start3A_81 = tpu.memref_slice %arg6[%run_scoped3A_73, %select_n3A, %dma_start3A] : memref<3x8x16384xf32, #tpu.memory_space<hbm>> -> memref<1x1x16384xf32, #tpu.memory_space<hbm>>
        %dma_start3A_82 = tpu.memref_squeeze %dma_start3A_81 : memref<1x1x16384xf32, #tpu.memory_space<hbm>> -> memref<16384xf32, #tpu.memory_space<hbm>>
        %dma_start3A_83 = arith.constant 0 : i32
        %dma_start3A_84 = tpu.memref_slice %arg6[%run_scoped3A_73, %select_n3A, %dma_start3A_83] : memref<3x8x16384xf32, #tpu.memory_space<hbm>> -> memref<1x1x16384xf32, #tpu.memory_space<hbm>>
        %dma_start3A_85 = tpu.memref_squeeze %dma_start3A_84 : memref<1x1x16384xf32, #tpu.memory_space<hbm>> -> memref<16384xf32, #tpu.memory_space<hbm>>
        tpu.enqueue_dma source(%dma_start3A_85 : memref<16384xf32, #tpu.memory_space<hbm>>) target(%arg16 : memref<16384xf32, #tpu.memory_space<vmem>>) target_semaphore(%run_scoped3A_80 : memref<!tpu.dma_semaphore, #tpu.memory_space<semaphore_mem>>)
        %dma_wait3A = arith.constant 0 : i32
        %dma_wait3A_86 = tpu.memref_slice %arg6[%run_scoped3A_73, %select_n3A, %dma_wait3A] : memref<3x8x16384xf32, #tpu.memory_space<hbm>> -> memref<1x1x16384xf32, #tpu.memory_space<hbm>>
        %dma_wait3A_87 = tpu.memref_squeeze %dma_wait3A_86 : memref<1x1x16384xf32, #tpu.memory_space<hbm>> -> memref<16384xf32, #tpu.memory_space<hbm>>
        %dma_wait3A_88 = arith.constant 0 : i32
        %dma_wait3A_89 = tpu.memref_slice %arg6[%run_scoped3A_73, %select_n3A, %dma_wait3A_88] : memref<3x8x16384xf32, #tpu.memory_space<hbm>> -> memref<1x1x16384xf32, #tpu.memory_space<hbm>>
        %dma_wait3A_90 = tpu.memref_squeeze %dma_wait3A_89 : memref<1x1x16384xf32, #tpu.memory_space<hbm>> -> memref<16384xf32, #tpu.memory_space<hbm>>
        tpu.wait_dma2 semaphore(%run_scoped3A_80 : memref<!tpu.dma_semaphore, #tpu.memory_space<semaphore_mem>>) src(%dma_wait3A_90 : memref<16384xf32, #tpu.memory_space<hbm>>) dst(%arg16 : memref<16384xf32, #tpu.memory_space<vmem>>)
        tpu.yield
      }) : () -> ()
      %scan3A_74 = arith.constant 0 : i32
      %scan3A_75 = arith.constant 128 : i32
      %scan3A_76 = arith.addi %scan3A_74, %scan3A_75 : i32
      %scan3A_77 = arith.constant 1 : i32
      scf.for %scan3A_80 = %scan3A_74 to %scan3A_76 step %scan3A_77  : i32 {
        %mul3A_81 = arith.constant 1 : i32
        %mul3A_82 = arith.muli %scan3A_80, %mul3A_81 : i32
        %add3A_83 = arith.constant 0 : i32
        %add3A_84 = arith.addi %add3A_83, %mul3A_82 : i32
        %mul3A_85 = arith.constant 16 : i32
        %mul3A_86 = arith.muli %add3A_84, %mul3A_85 : i32
        %get3A = arith.index_cast %mul3A_86 : i32 to index
        %get3A_87 = tpu.vector_load %arg15[%get3A] {strides = array<i32>} : memref<2048xi32, #tpu.memory_space<vmem>>, vector<16xi32>,
        %gather3A = tpu.vector_load_idx %arg16[%get3A_87] : memref<16384xf32, #tpu.memory_space<vmem>>[vector<16xi32>], vector<16xf32>,
        %mul3A_88 = arith.constant 16 : i32
        %mul3A_89 = arith.muli %add3A_84, %mul3A_88 : i32
        %swap3A = arith.index_cast %mul3A_89 : i32 to index
        %swap3A_90 = tpu.vector_load %arg17[%swap3A] {strides = array<i32>} : memref<2048xf32, #tpu.memory_space<vmem>>, vector<16xf32>,
        tpu.vector_store %arg17[%swap3A], %gather3A {strides = array<i32>} : memref<2048xf32, #tpu.memory_space<vmem>>, vector<16xf32>,
      }
      %scan3A_78 = arith.constant 128 : i32
      %run_scoped3A_79 = arith.constant 2 : i32
      "tpu.region"() ({
        %run_scoped3A_80 = tpu.sem_alloc : memref<!tpu.dma_semaphore, #tpu.memory_space<semaphore_mem>>
        %dma_start3A = arith.constant 0 : i32
        %dma_start3A_81 = tpu.memref_slice %arg13[%run_scoped3A_79, %select_n3A, %dma_start3A] : memref<3x8x2048xf32, #tpu.memory_space<hbm>> -> memref<1x1x2048xf32, #tpu.memory_space<hbm>>
        %dma_start3A_82 = tpu.memref_squeeze %dma_start3A_81 : memref<1x1x2048xf32, #tpu.memory_space<hbm>> -> memref<2048xf32, #tpu.memory_space<hbm>>
        %dma_start3A_83 = arith.constant 0 : i32
        %dma_start3A_84 = tpu.memref_slice %arg13[%run_scoped3A_79, %select_n3A, %dma_start3A_83] : memref<3x8x2048xf32, #tpu.memory_space<hbm>> -> memref<1x1x2048xf32, #tpu.memory_space<hbm>>
        %dma_start3A_85 = tpu.memref_squeeze %dma_start3A_84 : memref<1x1x2048xf32, #tpu.memory_space<hbm>> -> memref<2048xf32, #tpu.memory_space<hbm>>
        tpu.enqueue_dma source(%arg17 : memref<2048xf32, #tpu.memory_space<vmem>>) target(%dma_start3A_85 : memref<2048xf32, #tpu.memory_space<hbm>>) target_semaphore(%run_scoped3A_80 : memref<!tpu.dma_semaphore, #tpu.memory_space<semaphore_mem>>)
        %dma_wait3A = arith.constant 0 : i32
        %dma_wait3A_86 = tpu.memref_slice %arg13[%run_scoped3A_79, %select_n3A, %dma_wait3A] : memref<3x8x2048xf32, #tpu.memory_space<hbm>> -> memref<1x1x2048xf32, #tpu.memory_space<hbm>>
        %dma_wait3A_87 = tpu.memref_squeeze %dma_wait3A_86 : memref<1x1x2048xf32, #tpu.memory_space<hbm>> -> memref<2048xf32, #tpu.memory_space<hbm>>
        %dma_wait3A_88 = arith.constant 0 : i32
        %dma_wait3A_89 = tpu.memref_slice %arg13[%run_scoped3A_79, %select_n3A, %dma_wait3A_88] : memref<3x8x2048xf32, #tpu.memory_space<hbm>> -> memref<1x1x2048xf32, #tpu.memory_space<hbm>>
        %dma_wait3A_90 = tpu.memref_squeeze %dma_wait3A_89 : memref<1x1x2048xf32, #tpu.memory_space<hbm>> -> memref<2048xf32, #tpu.memory_space<hbm>>
        tpu.wait_dma2 semaphore(%run_scoped3A_80 : memref<!tpu.dma_semaphore, #tpu.memory_space<semaphore_mem>>) src(%arg17 : memref<2048xf32, #tpu.memory_space<vmem>>) dst(%dma_wait3A_90 : memref<2048xf32, #tpu.memory_space<hbm>>)
        tpu.yield
      }) : () -> ()
    } else {
    }
    %eq3A_36 = arith.constant 2 : i32
    %eq3A_37 = arith.cmpi eq, %select_n3A_30, %eq3A_36 : i32
    %convert_element_type3A_38 = arith.extui %eq3A_37 : i1 to i32
    %cond3A_39 = arith.constant 0 : i32
    %cond3A_40 = arith.cmpi ne, %convert_element_type3A_38, %cond3A_39 : i32
    scf.if %cond3A_40 {
      %run_scoped3A = arith.constant 13 : i32
      "tpu.region"() ({
        %run_scoped3A_143 = tpu.sem_alloc : memref<!tpu.dma_semaphore, #tpu.memory_space<semaphore_mem>>
        %dma_start3A = arith.constant 0 : i32
        %dma_start3A_144 = tpu.memref_slice %arg7[%run_scoped3A, %select_n3A, %dma_start3A] : memref<17x8x16384xf32, #tpu.memory_space<hbm>> -> memref<1x1x16384xf32, #tpu.memory_space<hbm>>
        %dma_start3A_145 = tpu.memref_squeeze %dma_start3A_144 : memref<1x1x16384xf32, #tpu.memory_space<hbm>> -> memref<16384xf32, #tpu.memory_space<hbm>>
        %dma_start3A_146 = arith.constant 0 : i32
        %dma_start3A_147 = tpu.memref_slice %arg7[%run_scoped3A, %select_n3A, %dma_start3A_146] : memref<17x8x16384xf32, #tpu.memory_space<hbm>> -> memref<1x1x16384xf32, #tpu.memory_space<hbm>>
        %dma_start3A_148 = tpu.memref_squeeze %dma_start3A_147 : memref<1x1x16384xf32, #tpu.memory_space<hbm>> -> memref<16384xf32, #tpu.memory_space<hbm>>
        tpu.enqueue_dma source(%dma_start3A_148 : memref<16384xf32, #tpu.memory_space<hbm>>) target(%arg16 : memref<16384xf32, #tpu.memory_space<vmem>>) target_semaphore(%run_scoped3A_143 : memref<!tpu.dma_semaphore, #tpu.memory_space<semaphore_mem>>)
        %dma_wait3A = arith.constant 0 : i32
        %dma_wait3A_149 = tpu.memref_slice %arg7[%run_scoped3A, %select_n3A, %dma_wait3A] : memref<17x8x16384xf32, #tpu.memory_space<hbm>> -> memref<1x1x16384xf32, #tpu.memory_space<hbm>>
        %dma_wait3A_150 = tpu.memref_squeeze %dma_wait3A_149 : memref<1x1x16384xf32, #tpu.memory_space<hbm>> -> memref<16384xf32, #tpu.memory_space<hbm>>
        %dma_wait3A_151 = arith.constant 0 : i32
        %dma_wait3A_152 = tpu.memref_slice %arg7[%run_scoped3A, %select_n3A, %dma_wait3A_151] : memref<17x8x16384xf32, #tpu.memory_space<hbm>> -> memref<1x1x16384xf32, #tpu.memory_space<hbm>>
        %dma_wait3A_153 = tpu.memref_squeeze %dma_wait3A_152 : memref<1x1x16384xf32, #tpu.memory_space<hbm>> -> memref<16384xf32, #tpu.memory_space<hbm>>
        tpu.wait_dma2 semaphore(%run_scoped3A_143 : memref<!tpu.dma_semaphore, #tpu.memory_space<semaphore_mem>>) src(%dma_wait3A_153 : memref<16384xf32, #tpu.memory_space<hbm>>) dst(%arg16 : memref<16384xf32, #tpu.memory_space<vmem>>)
        tpu.yield
      }) : () -> ()
      %scan3A_60 = arith.constant 0 : i32
      %scan3A_61 = arith.constant 128 : i32
      %scan3A_62 = arith.addi %scan3A_60, %scan3A_61 : i32
      %scan3A_63 = arith.constant 1 : i32
      scf.for %scan3A_143 = %scan3A_60 to %scan3A_62 step %scan3A_63  : i32 {
        %mul3A_144 = arith.constant 1 : i32
        %mul3A_145 = arith.muli %scan3A_143, %mul3A_144 : i32
        %add3A_146 = arith.constant 0 : i32
        %add3A_147 = arith.addi %add3A_146, %mul3A_145 : i32
        %mul3A_148 = arith.constant 16 : i32
        %mul3A_149 = arith.muli %add3A_147, %mul3A_148 : i32
        %get3A = arith.index_cast %mul3A_149 : i32 to index
        %get3A_150 = tpu.vector_load %arg15[%get3A] {strides = array<i32>} : memref<2048xi32, #tpu.memory_space<vmem>>, vector<16xi32>,
        %gather3A = tpu.vector_load_idx %arg16[%get3A_150] : memref<16384xf32, #tpu.memory_space<vmem>>[vector<16xi32>], vector<16xf32>,
        %mul3A_151 = arith.constant 16 : i32
        %mul3A_152 = arith.muli %add3A_147, %mul3A_151 : i32
        %swap3A = arith.index_cast %mul3A_152 : i32 to index
        %swap3A_153 = tpu.vector_load %arg17[%swap3A] {strides = array<i32>} : memref<2048xf32, #tpu.memory_space<vmem>>, vector<16xf32>,
        tpu.vector_store %arg17[%swap3A], %gather3A {strides = array<i32>} : memref<2048xf32, #tpu.memory_space<vmem>>, vector<16xf32>,
      }
      %scan3A_64 = arith.constant 128 : i32
      %run_scoped3A_65 = arith.constant 0 : i32
      "tpu.region"() ({
        %run_scoped3A_143 = tpu.sem_alloc : memref<!tpu.dma_semaphore, #tpu.memory_space<semaphore_mem>>
        %dma_start3A = arith.constant 0 : i32
        %dma_start3A_144 = tpu.memref_slice %arg14[%run_scoped3A_65, %select_n3A, %dma_start3A] : memref<12x8x2048xf32, #tpu.memory_space<hbm>> -> memref<1x1x2048xf32, #tpu.memory_space<hbm>>
        %dma_start3A_145 = tpu.memref_squeeze %dma_start3A_144 : memref<1x1x2048xf32, #tpu.memory_space<hbm>> -> memref<2048xf32, #tpu.memory_space<hbm>>
        %dma_start3A_146 = arith.constant 0 : i32
        %dma_start3A_147 = tpu.memref_slice %arg14[%run_scoped3A_65, %select_n3A, %dma_start3A_146] : memref<12x8x2048xf32, #tpu.memory_space<hbm>> -> memref<1x1x2048xf32, #tpu.memory_space<hbm>>
        %dma_start3A_148 = tpu.memref_squeeze %dma_start3A_147 : memref<1x1x2048xf32, #tpu.memory_space<hbm>> -> memref<2048xf32, #tpu.memory_space<hbm>>
        tpu.enqueue_dma source(%arg17 : memref<2048xf32, #tpu.memory_space<vmem>>) target(%dma_start3A_148 : memref<2048xf32, #tpu.memory_space<hbm>>) target_semaphore(%run_scoped3A_143 : memref<!tpu.dma_semaphore, #tpu.memory_space<semaphore_mem>>)
        %dma_wait3A = arith.constant 0 : i32
        %dma_wait3A_149 = tpu.memref_slice %arg14[%run_scoped3A_65, %select_n3A, %dma_wait3A] : memref<12x8x2048xf32, #tpu.memory_space<hbm>> -> memref<1x1x2048xf32, #tpu.memory_space<hbm>>
        %dma_wait3A_150 = tpu.memref_squeeze %dma_wait3A_149 : memref<1x1x2048xf32, #tpu.memory_space<hbm>> -> memref<2048xf32, #tpu.memory_space<hbm>>
        %dma_wait3A_151 = arith.constant 0 : i32
        %dma_wait3A_152 = tpu.memref_slice %arg14[%run_scoped3A_65, %select_n3A, %dma_wait3A_151] : memref<12x8x2048xf32, #tpu.memory_space<hbm>> -> memref<1x1x2048xf32, #tpu.memory_space<hbm>>
        %dma_wait3A_153 = tpu.memref_squeeze %dma_wait3A_152 : memref<1x1x2048xf32, #tpu.memory_space<hbm>> -> memref<2048xf32, #tpu.memory_space<hbm>>
        tpu.wait_dma2 semaphore(%run_scoped3A_143 : memref<!tpu.dma_semaphore, #tpu.memory_space<semaphore_mem>>) src(%arg17 : memref<2048xf32, #tpu.memory_space<vmem>>) dst(%dma_wait3A_153 : memref<2048xf32, #tpu.memory_space<hbm>>)
        tpu.yield
      }) : () -> ()
      %run_scoped3A_66 = arith.constant 14 : i32
      "tpu.region"() ({
        %run_scoped3A_143 = tpu.sem_alloc : memref<!tpu.dma_semaphore, #tpu.memory_space<semaphore_mem>>
        %dma_start3A = arith.constant 0 : i32
        %dma_start3A_144 = tpu.memref_slice %arg7[%run_scoped3A_66, %select_n3A, %dma_start3A] : memref<17x8x16384xf32, #tpu.memory_space<hbm>> -> memref<1x1x16384xf32, #tpu.memory_space<hbm>>
        %dma_start3A_145 = tpu.memref_squeeze %dma_start3A_144 : memref<1x1x16384xf32, #tpu.memory_space<hbm>> -> memref<16384xf32, #tpu.memory_space<hbm>>
        %dma_start3A_146 = arith.constant 0 : i32
        %dma_start3A_147 = tpu.memref_slice %arg7[%run_scoped3A_66, %select_n3A, %dma_start3A_146] : memref<17x8x16384xf32, #tpu.memory_space<hbm>> -> memref<1x1x16384xf32, #tpu.memory_space<hbm>>
        %dma_start3A_148 = tpu.memref_squeeze %dma_start3A_147 : memref<1x1x16384xf32, #tpu.memory_space<hbm>> -> memref<16384xf32, #tpu.memory_space<hbm>>
        tpu.enqueue_dma source(%dma_start3A_148 : memref<16384xf32, #tpu.memory_space<hbm>>) target(%arg16 : memref<16384xf32, #tpu.memory_space<vmem>>) target_semaphore(%run_scoped3A_143 : memref<!tpu.dma_semaphore, #tpu.memory_space<semaphore_mem>>)
        %dma_wait3A = arith.constant 0 : i32
        %dma_wait3A_149 = tpu.memref_slice %arg7[%run_scoped3A_66, %select_n3A, %dma_wait3A] : memref<17x8x16384xf32, #tpu.memory_space<hbm>> -> memref<1x1x16384xf32, #tpu.memory_space<hbm>>
        %dma_wait3A_150 = tpu.memref_squeeze %dma_wait3A_149 : memref<1x1x16384xf32, #tpu.memory_space<hbm>> -> memref<16384xf32, #tpu.memory_space<hbm>>
        %dma_wait3A_151 = arith.constant 0 : i32
        %dma_wait3A_152 = tpu.memref_slice %arg7[%run_scoped3A_66, %select_n3A, %dma_wait3A_151] : memref<17x8x16384xf32, #tpu.memory_space<hbm>> -> memref<1x1x16384xf32, #tpu.memory_space<hbm>>
        %dma_wait3A_153 = tpu.memref_squeeze %dma_wait3A_152 : memref<1x1x16384xf32, #tpu.memory_space<hbm>> -> memref<16384xf32, #tpu.memory_space<hbm>>
        tpu.wait_dma2 semaphore(%run_scoped3A_143 : memref<!tpu.dma_semaphore, #tpu.memory_space<semaphore_mem>>) src(%dma_wait3A_153 : memref<16384xf32, #tpu.memory_space<hbm>>) dst(%arg16 : memref<16384xf32, #tpu.memory_space<vmem>>)
        tpu.yield
      }) : () -> ()
      %scan3A_67 = arith.constant 0 : i32
      %scan3A_68 = arith.constant 128 : i32
      %scan3A_69 = arith.addi %scan3A_67, %scan3A_68 : i32
      %scan3A_70 = arith.constant 1 : i32
      scf.for %scan3A_143 = %scan3A_67 to %scan3A_69 step %scan3A_70  : i32 {
        %mul3A_144 = arith.constant 1 : i32
        %mul3A_145 = arith.muli %scan3A_143, %mul3A_144 : i32
        %add3A_146 = arith.constant 0 : i32
        %add3A_147 = arith.addi %add3A_146, %mul3A_145 : i32
        %mul3A_148 = arith.constant 16 : i32
        %mul3A_149 = arith.muli %add3A_147, %mul3A_148 : i32
        %get3A = arith.index_cast %mul3A_149 : i32 to index
        %get3A_150 = tpu.vector_load %arg15[%get3A] {strides = array<i32>} : memref<2048xi32, #tpu.memory_space<vmem>>, vector<16xi32>,
        %gather3A = tpu.vector_load_idx %arg16[%get3A_150] : memref<16384xf32, #tpu.memory_space<vmem>>[vector<16xi32>], vector<16xf32>,
        %mul3A_151 = arith.constant 16 : i32
        %mul3A_152 = arith.muli %add3A_147, %mul3A_151 : i32
        %swap3A = arith.index_cast %mul3A_152 : i32 to index
        %swap3A_153 = tpu.vector_load %arg17[%swap3A] {strides = array<i32>} : memref<2048xf32, #tpu.memory_space<vmem>>, vector<16xf32>,
        tpu.vector_store %arg17[%swap3A], %gather3A {strides = array<i32>} : memref<2048xf32, #tpu.memory_space<vmem>>, vector<16xf32>,
      }
      %scan3A_71 = arith.constant 128 : i32
      %run_scoped3A_72 = arith.constant 1 : i32
      "tpu.region"() ({
        %run_scoped3A_143 = tpu.sem_alloc : memref<!tpu.dma_semaphore, #tpu.memory_space<semaphore_mem>>
        %dma_start3A = arith.constant 0 : i32
        %dma_start3A_144 = tpu.memref_slice %arg14[%run_scoped3A_72, %select_n3A, %dma_start3A] : memref<12x8x2048xf32, #tpu.memory_space<hbm>> -> memref<1x1x2048xf32, #tpu.memory_space<hbm>>
        %dma_start3A_145 = tpu.memref_squeeze %dma_start3A_144 : memref<1x1x2048xf32, #tpu.memory_space<hbm>> -> memref<2048xf32, #tpu.memory_space<hbm>>
        %dma_start3A_146 = arith.constant 0 : i32
        %dma_start3A_147 = tpu.memref_slice %arg14[%run_scoped3A_72, %select_n3A, %dma_start3A_146] : memref<12x8x2048xf32, #tpu.memory_space<hbm>> -> memref<1x1x2048xf32, #tpu.memory_space<hbm>>
        %dma_start3A_148 = tpu.memref_squeeze %dma_start3A_147 : memref<1x1x2048xf32, #tpu.memory_space<hbm>> -> memref<2048xf32, #tpu.memory_space<hbm>>
        tpu.enqueue_dma source(%arg17 : memref<2048xf32, #tpu.memory_space<vmem>>) target(%dma_start3A_148 : memref<2048xf32, #tpu.memory_space<hbm>>) target_semaphore(%run_scoped3A_143 : memref<!tpu.dma_semaphore, #tpu.memory_space<semaphore_mem>>)
        %dma_wait3A = arith.constant 0 : i32
        %dma_wait3A_149 = tpu.memref_slice %arg14[%run_scoped3A_72, %select_n3A, %dma_wait3A] : memref<12x8x2048xf32, #tpu.memory_space<hbm>> -> memref<1x1x2048xf32, #tpu.memory_space<hbm>>
        %dma_wait3A_150 = tpu.memref_squeeze %dma_wait3A_149 : memref<1x1x2048xf32, #tpu.memory_space<hbm>> -> memref<2048xf32, #tpu.memory_space<hbm>>
        %dma_wait3A_151 = arith.constant 0 : i32
        %dma_wait3A_152 = tpu.memref_slice %arg14[%run_scoped3A_72, %select_n3A, %dma_wait3A_151] : memref<12x8x2048xf32, #tpu.memory_space<hbm>> -> memref<1x1x2048xf32, #tpu.memory_space<hbm>>
        %dma_wait3A_153 = tpu.memref_squeeze %dma_wait3A_152 : memref<1x1x2048xf32, #tpu.memory_space<hbm>> -> memref<2048xf32, #tpu.memory_space<hbm>>
        tpu.wait_dma2 semaphore(%run_scoped3A_143 : memref<!tpu.dma_semaphore, #tpu.memory_space<semaphore_mem>>) src(%arg17 : memref<2048xf32, #tpu.memory_space<vmem>>) dst(%dma_wait3A_153 : memref<2048xf32, #tpu.memory_space<hbm>>)
        tpu.yield
      }) : () -> ()
      %run_scoped3A_73 = arith.constant 15 : i32
      "tpu.region"() ({
        %run_scoped3A_143 = tpu.sem_alloc : memref<!tpu.dma_semaphore, #tpu.memory_space<semaphore_mem>>
        %dma_start3A = arith.constant 0 : i32
        %dma_start3A_144 = tpu.memref_slice %arg7[%run_scoped3A_73, %select_n3A, %dma_start3A] : memref<17x8x16384xf32, #tpu.memory_space<hbm>> -> memref<1x1x16384xf32, #tpu.memory_space<hbm>>
        %dma_start3A_145 = tpu.memref_squeeze %dma_start3A_144 : memref<1x1x16384xf32, #tpu.memory_space<hbm>> -> memref<16384xf32, #tpu.memory_space<hbm>>
        %dma_start3A_146 = arith.constant 0 : i32
        %dma_start3A_147 = tpu.memref_slice %arg7[%run_scoped3A_73, %select_n3A, %dma_start3A_146] : memref<17x8x16384xf32, #tpu.memory_space<hbm>> -> memref<1x1x16384xf32, #tpu.memory_space<hbm>>
        %dma_start3A_148 = tpu.memref_squeeze %dma_start3A_147 : memref<1x1x16384xf32, #tpu.memory_space<hbm>> -> memref<16384xf32, #tpu.memory_space<hbm>>
        tpu.enqueue_dma source(%dma_start3A_148 : memref<16384xf32, #tpu.memory_space<hbm>>) target(%arg16 : memref<16384xf32, #tpu.memory_space<vmem>>) target_semaphore(%run_scoped3A_143 : memref<!tpu.dma_semaphore, #tpu.memory_space<semaphore_mem>>)
        %dma_wait3A = arith.constant 0 : i32
        %dma_wait3A_149 = tpu.memref_slice %arg7[%run_scoped3A_73, %select_n3A, %dma_wait3A] : memref<17x8x16384xf32, #tpu.memory_space<hbm>> -> memref<1x1x16384xf32, #tpu.memory_space<hbm>>
        %dma_wait3A_150 = tpu.memref_squeeze %dma_wait3A_149 : memref<1x1x16384xf32, #tpu.memory_space<hbm>> -> memref<16384xf32, #tpu.memory_space<hbm>>
        %dma_wait3A_151 = arith.constant 0 : i32
        %dma_wait3A_152 = tpu.memref_slice %arg7[%run_scoped3A_73, %select_n3A, %dma_wait3A_151] : memref<17x8x16384xf32, #tpu.memory_space<hbm>> -> memref<1x1x16384xf32, #tpu.memory_space<hbm>>
        %dma_wait3A_153 = tpu.memref_squeeze %dma_wait3A_152 : memref<1x1x16384xf32, #tpu.memory_space<hbm>> -> memref<16384xf32, #tpu.memory_space<hbm>>
        tpu.wait_dma2 semaphore(%run_scoped3A_143 : memref<!tpu.dma_semaphore, #tpu.memory_space<semaphore_mem>>) src(%dma_wait3A_153 : memref<16384xf32, #tpu.memory_space<hbm>>) dst(%arg16 : memref<16384xf32, #tpu.memory_space<vmem>>)
        tpu.yield
      }) : () -> ()
      %scan3A_74 = arith.constant 0 : i32
      %scan3A_75 = arith.constant 128 : i32
      %scan3A_76 = arith.addi %scan3A_74, %scan3A_75 : i32
      %scan3A_77 = arith.constant 1 : i32
      scf.for %scan3A_143 = %scan3A_74 to %scan3A_76 step %scan3A_77  : i32 {
        %mul3A_144 = arith.constant 1 : i32
        %mul3A_145 = arith.muli %scan3A_143, %mul3A_144 : i32
        %add3A_146 = arith.constant 0 : i32
        %add3A_147 = arith.addi %add3A_146, %mul3A_145 : i32
        %mul3A_148 = arith.constant 16 : i32
        %mul3A_149 = arith.muli %add3A_147, %mul3A_148 : i32
        %get3A = arith.index_cast %mul3A_149 : i32 to index
        %get3A_150 = tpu.vector_load %arg15[%get3A] {strides = array<i32>} : memref<2048xi32, #tpu.memory_space<vmem>>, vector<16xi32>,
        %gather3A = tpu.vector_load_idx %arg16[%get3A_150] : memref<16384xf32, #tpu.memory_space<vmem>>[vector<16xi32>], vector<16xf32>,
        %mul3A_151 = arith.constant 16 : i32
        %mul3A_152 = arith.muli %add3A_147, %mul3A_151 : i32
        %swap3A = arith.index_cast %mul3A_152 : i32 to index
        %swap3A_153 = tpu.vector_load %arg17[%swap3A] {strides = array<i32>} : memref<2048xf32, #tpu.memory_space<vmem>>, vector<16xf32>,
        tpu.vector_store %arg17[%swap3A], %gather3A {strides = array<i32>} : memref<2048xf32, #tpu.memory_space<vmem>>, vector<16xf32>,
      }
      %scan3A_78 = arith.constant 128 : i32
      %run_scoped3A_79 = arith.constant 2 : i32
      "tpu.region"() ({
        %run_scoped3A_143 = tpu.sem_alloc : memref<!tpu.dma_semaphore, #tpu.memory_space<semaphore_mem>>
        %dma_start3A = arith.constant 0 : i32
        %dma_start3A_144 = tpu.memref_slice %arg14[%run_scoped3A_79, %select_n3A, %dma_start3A] : memref<12x8x2048xf32, #tpu.memory_space<hbm>> -> memref<1x1x2048xf32, #tpu.memory_space<hbm>>
        %dma_start3A_145 = tpu.memref_squeeze %dma_start3A_144 : memref<1x1x2048xf32, #tpu.memory_space<hbm>> -> memref<2048xf32, #tpu.memory_space<hbm>>
        %dma_start3A_146 = arith.constant 0 : i32
        %dma_start3A_147 = tpu.memref_slice %arg14[%run_scoped3A_79, %select_n3A, %dma_start3A_146] : memref<12x8x2048xf32, #tpu.memory_space<hbm>> -> memref<1x1x2048xf32, #tpu.memory_space<hbm>>
        %dma_start3A_148 = tpu.memref_squeeze %dma_start3A_147 : memref<1x1x2048xf32, #tpu.memory_space<hbm>> -> memref<2048xf32, #tpu.memory_space<hbm>>
        tpu.enqueue_dma source(%arg17 : memref<2048xf32, #tpu.memory_space<vmem>>) target(%dma_start3A_148 : memref<2048xf32, #tpu.memory_space<hbm>>) target_semaphore(%run_scoped3A_143 : memref<!tpu.dma_semaphore, #tpu.memory_space<semaphore_mem>>)
        %dma_wait3A = arith.constant 0 : i32
        %dma_wait3A_149 = tpu.memref_slice %arg14[%run_scoped3A_79, %select_n3A, %dma_wait3A] : memref<12x8x2048xf32, #tpu.memory_space<hbm>> -> memref<1x1x2048xf32, #tpu.memory_space<hbm>>
        %dma_wait3A_150 = tpu.memref_squeeze %dma_wait3A_149 : memref<1x1x2048xf32, #tpu.memory_space<hbm>> -> memref<2048xf32, #tpu.memory_space<hbm>>
        %dma_wait3A_151 = arith.constant 0 : i32
        %dma_wait3A_152 = tpu.memref_slice %arg14[%run_scoped3A_79, %select_n3A, %dma_wait3A_151] : memref<12x8x2048xf32, #tpu.memory_space<hbm>> -> memref<1x1x2048xf32, #tpu.memory_space<hbm>>
        %dma_wait3A_153 = tpu.memref_squeeze %dma_wait3A_152 : memref<1x1x2048xf32, #tpu.memory_space<hbm>> -> memref<2048xf32, #tpu.memory_space<hbm>>
        tpu.wait_dma2 semaphore(%run_scoped3A_143 : memref<!tpu.dma_semaphore, #tpu.memory_space<semaphore_mem>>) src(%arg17 : memref<2048xf32, #tpu.memory_space<vmem>>) dst(%dma_wait3A_153 : memref<2048xf32, #tpu.memory_space<hbm>>)
        tpu.yield
      }) : () -> ()
      %run_scoped3A_80 = arith.constant 4 : i32
      "tpu.region"() ({
        %run_scoped3A_143 = tpu.sem_alloc : memref<!tpu.dma_semaphore, #tpu.memory_space<semaphore_mem>>
        %dma_start3A = arith.constant 0 : i32
        %dma_start3A_144 = tpu.memref_slice %arg7[%run_scoped3A_80, %select_n3A, %dma_start3A] : memref<17x8x16384xf32, #tpu.memory_space<hbm>> -> memref<1x1x16384xf32, #tpu.memory_space<hbm>>
        %dma_start3A_145 = tpu.memref_squeeze %dma_start3A_144 : memref<1x1x16384xf32, #tpu.memory_space<hbm>> -> memref<16384xf32, #tpu.memory_space<hbm>>
        %dma_start3A_146 = arith.constant 0 : i32
        %dma_start3A_147 = tpu.memref_slice %arg7[%run_scoped3A_80, %select_n3A, %dma_start3A_146] : memref<17x8x16384xf32, #tpu.memory_space<hbm>> -> memref<1x1x16384xf32, #tpu.memory_space<hbm>>
        %dma_start3A_148 = tpu.memref_squeeze %dma_start3A_147 : memref<1x1x16384xf32, #tpu.memory_space<hbm>> -> memref<16384xf32, #tpu.memory_space<hbm>>
        tpu.enqueue_dma source(%dma_start3A_148 : memref<16384xf32, #tpu.memory_space<hbm>>) target(%arg16 : memref<16384xf32, #tpu.memory_space<vmem>>) target_semaphore(%run_scoped3A_143 : memref<!tpu.dma_semaphore, #tpu.memory_space<semaphore_mem>>)
        %dma_wait3A = arith.constant 0 : i32
        %dma_wait3A_149 = tpu.memref_slice %arg7[%run_scoped3A_80, %select_n3A, %dma_wait3A] : memref<17x8x16384xf32, #tpu.memory_space<hbm>> -> memref<1x1x16384xf32, #tpu.memory_space<hbm>>
        %dma_wait3A_150 = tpu.memref_squeeze %dma_wait3A_149 : memref<1x1x16384xf32, #tpu.memory_space<hbm>> -> memref<16384xf32, #tpu.memory_space<hbm>>
        %dma_wait3A_151 = arith.constant 0 : i32
        %dma_wait3A_152 = tpu.memref_slice %arg7[%run_scoped3A_80, %select_n3A, %dma_wait3A_151] : memref<17x8x16384xf32, #tpu.memory_space<hbm>> -> memref<1x1x16384xf32, #tpu.memory_space<hbm>>
        %dma_wait3A_153 = tpu.memref_squeeze %dma_wait3A_152 : memref<1x1x16384xf32, #tpu.memory_space<hbm>> -> memref<16384xf32, #tpu.memory_space<hbm>>
        tpu.wait_dma2 semaphore(%run_scoped3A_143 : memref<!tpu.dma_semaphore, #tpu.memory_space<semaphore_mem>>) src(%dma_wait3A_153 : memref<16384xf32, #tpu.memory_space<hbm>>) dst(%arg16 : memref<16384xf32, #tpu.memory_space<vmem>>)
        tpu.yield
      }) : () -> ()
      %scan3A_81 = arith.constant 0 : i32
      %scan3A_82 = arith.constant 128 : i32
      %scan3A_83 = arith.addi %scan3A_81, %scan3A_82 : i32
      %scan3A_84 = arith.constant 1 : i32
      scf.for %scan3A_143 = %scan3A_81 to %scan3A_83 step %scan3A_84  : i32 {
        %mul3A_144 = arith.constant 1 : i32
        %mul3A_145 = arith.muli %scan3A_143, %mul3A_144 : i32
        %add3A_146 = arith.constant 0 : i32
        %add3A_147 = arith.addi %add3A_146, %mul3A_145 : i32
        %mul3A_148 = arith.constant 16 : i32
        %mul3A_149 = arith.muli %add3A_147, %mul3A_148 : i32
        %get3A = arith.index_cast %mul3A_149 : i32 to index
        %get3A_150 = tpu.vector_load %arg15[%get3A] {strides = array<i32>} : memref<2048xi32, #tpu.memory_space<vmem>>, vector<16xi32>,
        %gather3A = tpu.vector_load_idx %arg16[%get3A_150] : memref<16384xf32, #tpu.memory_space<vmem>>[vector<16xi32>], vector<16xf32>,
        %mul3A_151 = arith.constant 16 : i32
        %mul3A_152 = arith.muli %add3A_147, %mul3A_151 : i32
        %swap3A = arith.index_cast %mul3A_152 : i32 to index
        %swap3A_153 = tpu.vector_load %arg17[%swap3A] {strides = array<i32>} : memref<2048xf32, #tpu.memory_space<vmem>>, vector<16xf32>,
        tpu.vector_store %arg17[%swap3A], %gather3A {strides = array<i32>} : memref<2048xf32, #tpu.memory_space<vmem>>, vector<16xf32>,
      }
      %scan3A_85 = arith.constant 128 : i32
      %run_scoped3A_86 = arith.constant 3 : i32
      "tpu.region"() ({
        %run_scoped3A_143 = tpu.sem_alloc : memref<!tpu.dma_semaphore, #tpu.memory_space<semaphore_mem>>
        %dma_start3A = arith.constant 0 : i32
        %dma_start3A_144 = tpu.memref_slice %arg14[%run_scoped3A_86, %select_n3A, %dma_start3A] : memref<12x8x2048xf32, #tpu.memory_space<hbm>> -> memref<1x1x2048xf32, #tpu.memory_space<hbm>>
        %dma_start3A_145 = tpu.memref_squeeze %dma_start3A_144 : memref<1x1x2048xf32, #tpu.memory_space<hbm>> -> memref<2048xf32, #tpu.memory_space<hbm>>
        %dma_start3A_146 = arith.constant 0 : i32
        %dma_start3A_147 = tpu.memref_slice %arg14[%run_scoped3A_86, %select_n3A, %dma_start3A_146] : memref<12x8x2048xf32, #tpu.memory_space<hbm>> -> memref<1x1x2048xf32, #tpu.memory_space<hbm>>
        %dma_start3A_148 = tpu.memref_squeeze %dma_start3A_147 : memref<1x1x2048xf32, #tpu.memory_space<hbm>> -> memref<2048xf32, #tpu.memory_space<hbm>>
        tpu.enqueue_dma source(%arg17 : memref<2048xf32, #tpu.memory_space<vmem>>) target(%dma_start3A_148 : memref<2048xf32, #tpu.memory_space<hbm>>) target_semaphore(%run_scoped3A_143 : memref<!tpu.dma_semaphore, #tpu.memory_space<semaphore_mem>>)
        %dma_wait3A = arith.constant 0 : i32
        %dma_wait3A_149 = tpu.memref_slice %arg14[%run_scoped3A_86, %select_n3A, %dma_wait3A] : memref<12x8x2048xf32, #tpu.memory_space<hbm>> -> memref<1x1x2048xf32, #tpu.memory_space<hbm>>
        %dma_wait3A_150 = tpu.memref_squeeze %dma_wait3A_149 : memref<1x1x2048xf32, #tpu.memory_space<hbm>> -> memref<2048xf32, #tpu.memory_space<hbm>>
        %dma_wait3A_151 = arith.constant 0 : i32
        %dma_wait3A_152 = tpu.memref_slice %arg14[%run_scoped3A_86, %select_n3A, %dma_wait3A_151] : memref<12x8x2048xf32, #tpu.memory_space<hbm>> -> memref<1x1x2048xf32, #tpu.memory_space<hbm>>
        %dma_wait3A_153 = tpu.memref_squeeze %dma_wait3A_152 : memref<1x1x2048xf32, #tpu.memory_space<hbm>> -> memref<2048xf32, #tpu.memory_space<hbm>>
        tpu.wait_dma2 semaphore(%run_scoped3A_143 : memref<!tpu.dma_semaphore, #tpu.memory_space<semaphore_mem>>) src(%arg17 : memref<2048xf32, #tpu.memory_space<vmem>>) dst(%dma_wait3A_153 : memref<2048xf32, #tpu.memory_space<hbm>>)
        tpu.yield
      }) : () -> ()
      %run_scoped3A_87 = arith.constant 5 : i32
      "tpu.region"() ({
        %run_scoped3A_143 = tpu.sem_alloc : memref<!tpu.dma_semaphore, #tpu.memory_space<semaphore_mem>>
        %dma_start3A = arith.constant 0 : i32
        %dma_start3A_144 = tpu.memref_slice %arg7[%run_scoped3A_87, %select_n3A, %dma_start3A] : memref<17x8x16384xf32, #tpu.memory_space<hbm>> -> memref<1x1x16384xf32, #tpu.memory_space<hbm>>
        %dma_start3A_145 = tpu.memref_squeeze %dma_start3A_144 : memref<1x1x16384xf32, #tpu.memory_space<hbm>> -> memref<16384xf32, #tpu.memory_space<hbm>>
        %dma_start3A_146 = arith.constant 0 : i32
        %dma_start3A_147 = tpu.memref_slice %arg7[%run_scoped3A_87, %select_n3A, %dma_start3A_146] : memref<17x8x16384xf32, #tpu.memory_space<hbm>> -> memref<1x1x16384xf32, #tpu.memory_space<hbm>>
        %dma_start3A_148 = tpu.memref_squeeze %dma_start3A_147 : memref<1x1x16384xf32, #tpu.memory_space<hbm>> -> memref<16384xf32, #tpu.memory_space<hbm>>
        tpu.enqueue_dma source(%dma_start3A_148 : memref<16384xf32, #tpu.memory_space<hbm>>) target(%arg16 : memref<16384xf32, #tpu.memory_space<vmem>>) target_semaphore(%run_scoped3A_143 : memref<!tpu.dma_semaphore, #tpu.memory_space<semaphore_mem>>)
        %dma_wait3A = arith.constant 0 : i32
        %dma_wait3A_149 = tpu.memref_slice %arg7[%run_scoped3A_87, %select_n3A, %dma_wait3A] : memref<17x8x16384xf32, #tpu.memory_space<hbm>> -> memref<1x1x16384xf32, #tpu.memory_space<hbm>>
        %dma_wait3A_150 = tpu.memref_squeeze %dma_wait3A_149 : memref<1x1x16384xf32, #tpu.memory_space<hbm>> -> memref<16384xf32, #tpu.memory_space<hbm>>
        %dma_wait3A_151 = arith.constant 0 : i32
        %dma_wait3A_152 = tpu.memref_slice %arg7[%run_scoped3A_87, %select_n3A, %dma_wait3A_151] : memref<17x8x16384xf32, #tpu.memory_space<hbm>> -> memref<1x1x16384xf32, #tpu.memory_space<hbm>>
        %dma_wait3A_153 = tpu.memref_squeeze %dma_wait3A_152 : memref<1x1x16384xf32, #tpu.memory_space<hbm>> -> memref<16384xf32, #tpu.memory_space<hbm>>
        tpu.wait_dma2 semaphore(%run_scoped3A_143 : memref<!tpu.dma_semaphore, #tpu.memory_space<semaphore_mem>>) src(%dma_wait3A_153 : memref<16384xf32, #tpu.memory_space<hbm>>) dst(%arg16 : memref<16384xf32, #tpu.memory_space<vmem>>)
        tpu.yield
      }) : () -> ()
      %scan3A_88 = arith.constant 0 : i32
      %scan3A_89 = arith.constant 128 : i32
      %scan3A_90 = arith.addi %scan3A_88, %scan3A_89 : i32
      %scan3A_91 = arith.constant 1 : i32
      scf.for %scan3A_143 = %scan3A_88 to %scan3A_90 step %scan3A_91  : i32 {
        %mul3A_144 = arith.constant 1 : i32
        %mul3A_145 = arith.muli %scan3A_143, %mul3A_144 : i32
        %add3A_146 = arith.constant 0 : i32
        %add3A_147 = arith.addi %add3A_146, %mul3A_145 : i32
        %mul3A_148 = arith.constant 16 : i32
        %mul3A_149 = arith.muli %add3A_147, %mul3A_148 : i32
        %get3A = arith.index_cast %mul3A_149 : i32 to index
        %get3A_150 = tpu.vector_load %arg15[%get3A] {strides = array<i32>} : memref<2048xi32, #tpu.memory_space<vmem>>, vector<16xi32>,
        %gather3A = tpu.vector_load_idx %arg16[%get3A_150] : memref<16384xf32, #tpu.memory_space<vmem>>[vector<16xi32>], vector<16xf32>,
        %mul3A_151 = arith.constant 16 : i32
        %mul3A_152 = arith.muli %add3A_147, %mul3A_151 : i32
        %swap3A = arith.index_cast %mul3A_152 : i32 to index
        %swap3A_153 = tpu.vector_load %arg17[%swap3A] {strides = array<i32>} : memref<2048xf32, #tpu.memory_space<vmem>>, vector<16xf32>,
        tpu.vector_store %arg17[%swap3A], %gather3A {strides = array<i32>} : memref<2048xf32, #tpu.memory_space<vmem>>, vector<16xf32>,
      }
      %scan3A_92 = arith.constant 128 : i32
      %run_scoped3A_93 = arith.constant 4 : i32
      "tpu.region"() ({
        %run_scoped3A_143 = tpu.sem_alloc : memref<!tpu.dma_semaphore, #tpu.memory_space<semaphore_mem>>
        %dma_start3A = arith.constant 0 : i32
        %dma_start3A_144 = tpu.memref_slice %arg14[%run_scoped3A_93, %select_n3A, %dma_start3A] : memref<12x8x2048xf32, #tpu.memory_space<hbm>> -> memref<1x1x2048xf32, #tpu.memory_space<hbm>>
        %dma_start3A_145 = tpu.memref_squeeze %dma_start3A_144 : memref<1x1x2048xf32, #tpu.memory_space<hbm>> -> memref<2048xf32, #tpu.memory_space<hbm>>
        %dma_start3A_146 = arith.constant 0 : i32
        %dma_start3A_147 = tpu.memref_slice %arg14[%run_scoped3A_93, %select_n3A, %dma_start3A_146] : memref<12x8x2048xf32, #tpu.memory_space<hbm>> -> memref<1x1x2048xf32, #tpu.memory_space<hbm>>
        %dma_start3A_148 = tpu.memref_squeeze %dma_start3A_147 : memref<1x1x2048xf32, #tpu.memory_space<hbm>> -> memref<2048xf32, #tpu.memory_space<hbm>>
        tpu.enqueue_dma source(%arg17 : memref<2048xf32, #tpu.memory_space<vmem>>) target(%dma_start3A_148 : memref<2048xf32, #tpu.memory_space<hbm>>) target_semaphore(%run_scoped3A_143 : memref<!tpu.dma_semaphore, #tpu.memory_space<semaphore_mem>>)
        %dma_wait3A = arith.constant 0 : i32
        %dma_wait3A_149 = tpu.memref_slice %arg14[%run_scoped3A_93, %select_n3A, %dma_wait3A] : memref<12x8x2048xf32, #tpu.memory_space<hbm>> -> memref<1x1x2048xf32, #tpu.memory_space<hbm>>
        %dma_wait3A_150 = tpu.memref_squeeze %dma_wait3A_149 : memref<1x1x2048xf32, #tpu.memory_space<hbm>> -> memref<2048xf32, #tpu.memory_space<hbm>>
        %dma_wait3A_151 = arith.constant 0 : i32
        %dma_wait3A_152 = tpu.memref_slice %arg14[%run_scoped3A_93, %select_n3A, %dma_wait3A_151] : memref<12x8x2048xf32, #tpu.memory_space<hbm>> -> memref<1x1x2048xf32, #tpu.memory_space<hbm>>
        %dma_wait3A_153 = tpu.memref_squeeze %dma_wait3A_152 : memref<1x1x2048xf32, #tpu.memory_space<hbm>> -> memref<2048xf32, #tpu.memory_space<hbm>>
        tpu.wait_dma2 semaphore(%run_scoped3A_143 : memref<!tpu.dma_semaphore, #tpu.memory_space<semaphore_mem>>) src(%arg17 : memref<2048xf32, #tpu.memory_space<vmem>>) dst(%dma_wait3A_153 : memref<2048xf32, #tpu.memory_space<hbm>>)
        tpu.yield
      }) : () -> ()
      %run_scoped3A_94 = arith.constant 6 : i32
      "tpu.region"() ({
        %run_scoped3A_143 = tpu.sem_alloc : memref<!tpu.dma_semaphore, #tpu.memory_space<semaphore_mem>>
        %dma_start3A = arith.constant 0 : i32
        %dma_start3A_144 = tpu.memref_slice %arg7[%run_scoped3A_94, %select_n3A, %dma_start3A] : memref<17x8x16384xf32, #tpu.memory_space<hbm>> -> memref<1x1x16384xf32, #tpu.memory_space<hbm>>
        %dma_start3A_145 = tpu.memref_squeeze %dma_start3A_144 : memref<1x1x16384xf32, #tpu.memory_space<hbm>> -> memref<16384xf32, #tpu.memory_space<hbm>>
        %dma_start3A_146 = arith.constant 0 : i32
        %dma_start3A_147 = tpu.memref_slice %arg7[%run_scoped3A_94, %select_n3A, %dma_start3A_146] : memref<17x8x16384xf32, #tpu.memory_space<hbm>> -> memref<1x1x16384xf32, #tpu.memory_space<hbm>>
        %dma_start3A_148 = tpu.memref_squeeze %dma_start3A_147 : memref<1x1x16384xf32, #tpu.memory_space<hbm>> -> memref<16384xf32, #tpu.memory_space<hbm>>
        tpu.enqueue_dma source(%dma_start3A_148 : memref<16384xf32, #tpu.memory_space<hbm>>) target(%arg16 : memref<16384xf32, #tpu.memory_space<vmem>>) target_semaphore(%run_scoped3A_143 : memref<!tpu.dma_semaphore, #tpu.memory_space<semaphore_mem>>)
        %dma_wait3A = arith.constant 0 : i32
        %dma_wait3A_149 = tpu.memref_slice %arg7[%run_scoped3A_94, %select_n3A, %dma_wait3A] : memref<17x8x16384xf32, #tpu.memory_space<hbm>> -> memref<1x1x16384xf32, #tpu.memory_space<hbm>>
        %dma_wait3A_150 = tpu.memref_squeeze %dma_wait3A_149 : memref<1x1x16384xf32, #tpu.memory_space<hbm>> -> memref<16384xf32, #tpu.memory_space<hbm>>
        %dma_wait3A_151 = arith.constant 0 : i32
        %dma_wait3A_152 = tpu.memref_slice %arg7[%run_scoped3A_94, %select_n3A, %dma_wait3A_151] : memref<17x8x16384xf32, #tpu.memory_space<hbm>> -> memref<1x1x16384xf32, #tpu.memory_space<hbm>>
        %dma_wait3A_153 = tpu.memref_squeeze %dma_wait3A_152 : memref<1x1x16384xf32, #tpu.memory_space<hbm>> -> memref<16384xf32, #tpu.memory_space<hbm>>
        tpu.wait_dma2 semaphore(%run_scoped3A_143 : memref<!tpu.dma_semaphore, #tpu.memory_space<semaphore_mem>>) src(%dma_wait3A_153 : memref<16384xf32, #tpu.memory_space<hbm>>) dst(%arg16 : memref<16384xf32, #tpu.memory_space<vmem>>)
        tpu.yield
      }) : () -> ()
      %scan3A_95 = arith.constant 0 : i32
      %scan3A_96 = arith.constant 128 : i32
      %scan3A_97 = arith.addi %scan3A_95, %scan3A_96 : i32
      %scan3A_98 = arith.constant 1 : i32
      scf.for %scan3A_143 = %scan3A_95 to %scan3A_97 step %scan3A_98  : i32 {
        %mul3A_144 = arith.constant 1 : i32
        %mul3A_145 = arith.muli %scan3A_143, %mul3A_144 : i32
        %add3A_146 = arith.constant 0 : i32
        %add3A_147 = arith.addi %add3A_146, %mul3A_145 : i32
        %mul3A_148 = arith.constant 16 : i32
        %mul3A_149 = arith.muli %add3A_147, %mul3A_148 : i32
        %get3A = arith.index_cast %mul3A_149 : i32 to index
        %get3A_150 = tpu.vector_load %arg15[%get3A] {strides = array<i32>} : memref<2048xi32, #tpu.memory_space<vmem>>, vector<16xi32>,
        %gather3A = tpu.vector_load_idx %arg16[%get3A_150] : memref<16384xf32, #tpu.memory_space<vmem>>[vector<16xi32>], vector<16xf32>,
        %mul3A_151 = arith.constant 16 : i32
        %mul3A_152 = arith.muli %add3A_147, %mul3A_151 : i32
        %swap3A = arith.index_cast %mul3A_152 : i32 to index
        %swap3A_153 = tpu.vector_load %arg17[%swap3A] {strides = array<i32>} : memref<2048xf32, #tpu.memory_space<vmem>>, vector<16xf32>,
        tpu.vector_store %arg17[%swap3A], %gather3A {strides = array<i32>} : memref<2048xf32, #tpu.memory_space<vmem>>, vector<16xf32>,
      }
      %scan3A_99 = arith.constant 128 : i32
      %run_scoped3A_100 = arith.constant 5 : i32
      "tpu.region"() ({
        %run_scoped3A_143 = tpu.sem_alloc : memref<!tpu.dma_semaphore, #tpu.memory_space<semaphore_mem>>
        %dma_start3A = arith.constant 0 : i32
        %dma_start3A_144 = tpu.memref_slice %arg14[%run_scoped3A_100, %select_n3A, %dma_start3A] : memref<12x8x2048xf32, #tpu.memory_space<hbm>> -> memref<1x1x2048xf32, #tpu.memory_space<hbm>>
        %dma_start3A_145 = tpu.memref_squeeze %dma_start3A_144 : memref<1x1x2048xf32, #tpu.memory_space<hbm>> -> memref<2048xf32, #tpu.memory_space<hbm>>
        %dma_start3A_146 = arith.constant 0 : i32
        %dma_start3A_147 = tpu.memref_slice %arg14[%run_scoped3A_100, %select_n3A, %dma_start3A_146] : memref<12x8x2048xf32, #tpu.memory_space<hbm>> -> memref<1x1x2048xf32, #tpu.memory_space<hbm>>
        %dma_start3A_148 = tpu.memref_squeeze %dma_start3A_147 : memref<1x1x2048xf32, #tpu.memory_space<hbm>> -> memref<2048xf32, #tpu.memory_space<hbm>>
        tpu.enqueue_dma source(%arg17 : memref<2048xf32, #tpu.memory_space<vmem>>) target(%dma_start3A_148 : memref<2048xf32, #tpu.memory_space<hbm>>) target_semaphore(%run_scoped3A_143 : memref<!tpu.dma_semaphore, #tpu.memory_space<semaphore_mem>>)
        %dma_wait3A = arith.constant 0 : i32
        %dma_wait3A_149 = tpu.memref_slice %arg14[%run_scoped3A_100, %select_n3A, %dma_wait3A] : memref<12x8x2048xf32, #tpu.memory_space<hbm>> -> memref<1x1x2048xf32, #tpu.memory_space<hbm>>
        %dma_wait3A_150 = tpu.memref_squeeze %dma_wait3A_149 : memref<1x1x2048xf32, #tpu.memory_space<hbm>> -> memref<2048xf32, #tpu.memory_space<hbm>>
        %dma_wait3A_151 = arith.constant 0 : i32
        %dma_wait3A_152 = tpu.memref_slice %arg14[%run_scoped3A_100, %select_n3A, %dma_wait3A_151] : memref<12x8x2048xf32, #tpu.memory_space<hbm>> -> memref<1x1x2048xf32, #tpu.memory_space<hbm>>
        %dma_wait3A_153 = tpu.memref_squeeze %dma_wait3A_152 : memref<1x1x2048xf32, #tpu.memory_space<hbm>> -> memref<2048xf32, #tpu.memory_space<hbm>>
        tpu.wait_dma2 semaphore(%run_scoped3A_143 : memref<!tpu.dma_semaphore, #tpu.memory_space<semaphore_mem>>) src(%arg17 : memref<2048xf32, #tpu.memory_space<vmem>>) dst(%dma_wait3A_153 : memref<2048xf32, #tpu.memory_space<hbm>>)
        tpu.yield
      }) : () -> ()
      %run_scoped3A_101 = arith.constant 7 : i32
      "tpu.region"() ({
        %run_scoped3A_143 = tpu.sem_alloc : memref<!tpu.dma_semaphore, #tpu.memory_space<semaphore_mem>>
        %dma_start3A = arith.constant 0 : i32
        %dma_start3A_144 = tpu.memref_slice %arg7[%run_scoped3A_101, %select_n3A, %dma_start3A] : memref<17x8x16384xf32, #tpu.memory_space<hbm>> -> memref<1x1x16384xf32, #tpu.memory_space<hbm>>
        %dma_start3A_145 = tpu.memref_squeeze %dma_start3A_144 : memref<1x1x16384xf32, #tpu.memory_space<hbm>> -> memref<16384xf32, #tpu.memory_space<hbm>>
        %dma_start3A_146 = arith.constant 0 : i32
        %dma_start3A_147 = tpu.memref_slice %arg7[%run_scoped3A_101, %select_n3A, %dma_start3A_146] : memref<17x8x16384xf32, #tpu.memory_space<hbm>> -> memref<1x1x16384xf32, #tpu.memory_space<hbm>>
        %dma_start3A_148 = tpu.memref_squeeze %dma_start3A_147 : memref<1x1x16384xf32, #tpu.memory_space<hbm>> -> memref<16384xf32, #tpu.memory_space<hbm>>
        tpu.enqueue_dma source(%dma_start3A_148 : memref<16384xf32, #tpu.memory_space<hbm>>) target(%arg16 : memref<16384xf32, #tpu.memory_space<vmem>>) target_semaphore(%run_scoped3A_143 : memref<!tpu.dma_semaphore, #tpu.memory_space<semaphore_mem>>)
        %dma_wait3A = arith.constant 0 : i32
        %dma_wait3A_149 = tpu.memref_slice %arg7[%run_scoped3A_101, %select_n3A, %dma_wait3A] : memref<17x8x16384xf32, #tpu.memory_space<hbm>> -> memref<1x1x16384xf32, #tpu.memory_space<hbm>>
        %dma_wait3A_150 = tpu.memref_squeeze %dma_wait3A_149 : memref<1x1x16384xf32, #tpu.memory_space<hbm>> -> memref<16384xf32, #tpu.memory_space<hbm>>
        %dma_wait3A_151 = arith.constant 0 : i32
        %dma_wait3A_152 = tpu.memref_slice %arg7[%run_scoped3A_101, %select_n3A, %dma_wait3A_151] : memref<17x8x16384xf32, #tpu.memory_space<hbm>> -> memref<1x1x16384xf32, #tpu.memory_space<hbm>>
        %dma_wait3A_153 = tpu.memref_squeeze %dma_wait3A_152 : memref<1x1x16384xf32, #tpu.memory_space<hbm>> -> memref<16384xf32, #tpu.memory_space<hbm>>
        tpu.wait_dma2 semaphore(%run_scoped3A_143 : memref<!tpu.dma_semaphore, #tpu.memory_space<semaphore_mem>>) src(%dma_wait3A_153 : memref<16384xf32, #tpu.memory_space<hbm>>) dst(%arg16 : memref<16384xf32, #tpu.memory_space<vmem>>)
        tpu.yield
      }) : () -> ()
      %scan3A_102 = arith.constant 0 : i32
      %scan3A_103 = arith.constant 128 : i32
      %scan3A_104 = arith.addi %scan3A_102, %scan3A_103 : i32
      %scan3A_105 = arith.constant 1 : i32
      scf.for %scan3A_143 = %scan3A_102 to %scan3A_104 step %scan3A_105  : i32 {
        %mul3A_144 = arith.constant 1 : i32
        %mul3A_145 = arith.muli %scan3A_143, %mul3A_144 : i32
        %add3A_146 = arith.constant 0 : i32
        %add3A_147 = arith.addi %add3A_146, %mul3A_145 : i32
        %mul3A_148 = arith.constant 16 : i32
        %mul3A_149 = arith.muli %add3A_147, %mul3A_148 : i32
        %get3A = arith.index_cast %mul3A_149 : i32 to index
        %get3A_150 = tpu.vector_load %arg15[%get3A] {strides = array<i32>} : memref<2048xi32, #tpu.memory_space<vmem>>, vector<16xi32>,
        %gather3A = tpu.vector_load_idx %arg16[%get3A_150] : memref<16384xf32, #tpu.memory_space<vmem>>[vector<16xi32>], vector<16xf32>,
        %mul3A_151 = arith.constant 16 : i32
        %mul3A_152 = arith.muli %add3A_147, %mul3A_151 : i32
        %swap3A = arith.index_cast %mul3A_152 : i32 to index
        %swap3A_153 = tpu.vector_load %arg17[%swap3A] {strides = array<i32>} : memref<2048xf32, #tpu.memory_space<vmem>>, vector<16xf32>,
        tpu.vector_store %arg17[%swap3A], %gather3A {strides = array<i32>} : memref<2048xf32, #tpu.memory_space<vmem>>, vector<16xf32>,
      }
      %scan3A_106 = arith.constant 128 : i32
      %run_scoped3A_107 = arith.constant 6 : i32
      "tpu.region"() ({
        %run_scoped3A_143 = tpu.sem_alloc : memref<!tpu.dma_semaphore, #tpu.memory_space<semaphore_mem>>
        %dma_start3A = arith.constant 0 : i32
        %dma_start3A_144 = tpu.memref_slice %arg14[%run_scoped3A_107, %select_n3A, %dma_start3A] : memref<12x8x2048xf32, #tpu.memory_space<hbm>> -> memref<1x1x2048xf32, #tpu.memory_space<hbm>>
        %dma_start3A_145 = tpu.memref_squeeze %dma_start3A_144 : memref<1x1x2048xf32, #tpu.memory_space<hbm>> -> memref<2048xf32, #tpu.memory_space<hbm>>
        %dma_start3A_146 = arith.constant 0 : i32
        %dma_start3A_147 = tpu.memref_slice %arg14[%run_scoped3A_107, %select_n3A, %dma_start3A_146] : memref<12x8x2048xf32, #tpu.memory_space<hbm>> -> memref<1x1x2048xf32, #tpu.memory_space<hbm>>
        %dma_start3A_148 = tpu.memref_squeeze %dma_start3A_147 : memref<1x1x2048xf32, #tpu.memory_space<hbm>> -> memref<2048xf32, #tpu.memory_space<hbm>>
        tpu.enqueue_dma source(%arg17 : memref<2048xf32, #tpu.memory_space<vmem>>) target(%dma_start3A_148 : memref<2048xf32, #tpu.memory_space<hbm>>) target_semaphore(%run_scoped3A_143 : memref<!tpu.dma_semaphore, #tpu.memory_space<semaphore_mem>>)
        %dma_wait3A = arith.constant 0 : i32
        %dma_wait3A_149 = tpu.memref_slice %arg14[%run_scoped3A_107, %select_n3A, %dma_wait3A] : memref<12x8x2048xf32, #tpu.memory_space<hbm>> -> memref<1x1x2048xf32, #tpu.memory_space<hbm>>
        %dma_wait3A_150 = tpu.memref_squeeze %dma_wait3A_149 : memref<1x1x2048xf32, #tpu.memory_space<hbm>> -> memref<2048xf32, #tpu.memory_space<hbm>>
        %dma_wait3A_151 = arith.constant 0 : i32
        %dma_wait3A_152 = tpu.memref_slice %arg14[%run_scoped3A_107, %select_n3A, %dma_wait3A_151] : memref<12x8x2048xf32, #tpu.memory_space<hbm>> -> memref<1x1x2048xf32, #tpu.memory_space<hbm>>
        %dma_wait3A_153 = tpu.memref_squeeze %dma_wait3A_152 : memref<1x1x2048xf32, #tpu.memory_space<hbm>> -> memref<2048xf32, #tpu.memory_space<hbm>>
        tpu.wait_dma2 semaphore(%run_scoped3A_143 : memref<!tpu.dma_semaphore, #tpu.memory_space<semaphore_mem>>) src(%arg17 : memref<2048xf32, #tpu.memory_space<vmem>>) dst(%dma_wait3A_153 : memref<2048xf32, #tpu.memory_space<hbm>>)
        tpu.yield
      }) : () -> ()
      %run_scoped3A_108 = arith.constant 8 : i32
      "tpu.region"() ({
        %run_scoped3A_143 = tpu.sem_alloc : memref<!tpu.dma_semaphore, #tpu.memory_space<semaphore_mem>>
        %dma_start3A = arith.constant 0 : i32
        %dma_start3A_144 = tpu.memref_slice %arg7[%run_scoped3A_108, %select_n3A, %dma_start3A] : memref<17x8x16384xf32, #tpu.memory_space<hbm>> -> memref<1x1x16384xf32, #tpu.memory_space<hbm>>
        %dma_start3A_145 = tpu.memref_squeeze %dma_start3A_144 : memref<1x1x16384xf32, #tpu.memory_space<hbm>> -> memref<16384xf32, #tpu.memory_space<hbm>>
        %dma_start3A_146 = arith.constant 0 : i32
        %dma_start3A_147 = tpu.memref_slice %arg7[%run_scoped3A_108, %select_n3A, %dma_start3A_146] : memref<17x8x16384xf32, #tpu.memory_space<hbm>> -> memref<1x1x16384xf32, #tpu.memory_space<hbm>>
        %dma_start3A_148 = tpu.memref_squeeze %dma_start3A_147 : memref<1x1x16384xf32, #tpu.memory_space<hbm>> -> memref<16384xf32, #tpu.memory_space<hbm>>
        tpu.enqueue_dma source(%dma_start3A_148 : memref<16384xf32, #tpu.memory_space<hbm>>) target(%arg16 : memref<16384xf32, #tpu.memory_space<vmem>>) target_semaphore(%run_scoped3A_143 : memref<!tpu.dma_semaphore, #tpu.memory_space<semaphore_mem>>)
        %dma_wait3A = arith.constant 0 : i32
        %dma_wait3A_149 = tpu.memref_slice %arg7[%run_scoped3A_108, %select_n3A, %dma_wait3A] : memref<17x8x16384xf32, #tpu.memory_space<hbm>> -> memref<1x1x16384xf32, #tpu.memory_space<hbm>>
        %dma_wait3A_150 = tpu.memref_squeeze %dma_wait3A_149 : memref<1x1x16384xf32, #tpu.memory_space<hbm>> -> memref<16384xf32, #tpu.memory_space<hbm>>
        %dma_wait3A_151 = arith.constant 0 : i32
        %dma_wait3A_152 = tpu.memref_slice %arg7[%run_scoped3A_108, %select_n3A, %dma_wait3A_151] : memref<17x8x16384xf32, #tpu.memory_space<hbm>> -> memref<1x1x16384xf32, #tpu.memory_space<hbm>>
        %dma_wait3A_153 = tpu.memref_squeeze %dma_wait3A_152 : memref<1x1x16384xf32, #tpu.memory_space<hbm>> -> memref<16384xf32, #tpu.memory_space<hbm>>
        tpu.wait_dma2 semaphore(%run_scoped3A_143 : memref<!tpu.dma_semaphore, #tpu.memory_space<semaphore_mem>>) src(%dma_wait3A_153 : memref<16384xf32, #tpu.memory_space<hbm>>) dst(%arg16 : memref<16384xf32, #tpu.memory_space<vmem>>)
        tpu.yield
      }) : () -> ()
      %scan3A_109 = arith.constant 0 : i32
      %scan3A_110 = arith.constant 128 : i32
      %scan3A_111 = arith.addi %scan3A_109, %scan3A_110 : i32
      %scan3A_112 = arith.constant 1 : i32
      scf.for %scan3A_143 = %scan3A_109 to %scan3A_111 step %scan3A_112  : i32 {
        %mul3A_144 = arith.constant 1 : i32
        %mul3A_145 = arith.muli %scan3A_143, %mul3A_144 : i32
        %add3A_146 = arith.constant 0 : i32
        %add3A_147 = arith.addi %add3A_146, %mul3A_145 : i32
        %mul3A_148 = arith.constant 16 : i32
        %mul3A_149 = arith.muli %add3A_147, %mul3A_148 : i32
        %get3A = arith.index_cast %mul3A_149 : i32 to index
        %get3A_150 = tpu.vector_load %arg15[%get3A] {strides = array<i32>} : memref<2048xi32, #tpu.memory_space<vmem>>, vector<16xi32>,
        %gather3A = tpu.vector_load_idx %arg16[%get3A_150] : memref<16384xf32, #tpu.memory_space<vmem>>[vector<16xi32>], vector<16xf32>,
        %mul3A_151 = arith.constant 16 : i32
        %mul3A_152 = arith.muli %add3A_147, %mul3A_151 : i32
        %swap3A = arith.index_cast %mul3A_152 : i32 to index
        %swap3A_153 = tpu.vector_load %arg17[%swap3A] {strides = array<i32>} : memref<2048xf32, #tpu.memory_space<vmem>>, vector<16xf32>,
        tpu.vector_store %arg17[%swap3A], %gather3A {strides = array<i32>} : memref<2048xf32, #tpu.memory_space<vmem>>, vector<16xf32>,
      }
      %scan3A_113 = arith.constant 128 : i32
      %run_scoped3A_114 = arith.constant 7 : i32
      "tpu.region"() ({
        %run_scoped3A_143 = tpu.sem_alloc : memref<!tpu.dma_semaphore, #tpu.memory_space<semaphore_mem>>
        %dma_start3A = arith.constant 0 : i32
        %dma_start3A_144 = tpu.memref_slice %arg14[%run_scoped3A_114, %select_n3A, %dma_start3A] : memref<12x8x2048xf32, #tpu.memory_space<hbm>> -> memref<1x1x2048xf32, #tpu.memory_space<hbm>>
        %dma_start3A_145 = tpu.memref_squeeze %dma_start3A_144 : memref<1x1x2048xf32, #tpu.memory_space<hbm>> -> memref<2048xf32, #tpu.memory_space<hbm>>
        %dma_start3A_146 = arith.constant 0 : i32
        %dma_start3A_147 = tpu.memref_slice %arg14[%run_scoped3A_114, %select_n3A, %dma_start3A_146] : memref<12x8x2048xf32, #tpu.memory_space<hbm>> -> memref<1x1x2048xf32, #tpu.memory_space<hbm>>
        %dma_start3A_148 = tpu.memref_squeeze %dma_start3A_147 : memref<1x1x2048xf32, #tpu.memory_space<hbm>> -> memref<2048xf32, #tpu.memory_space<hbm>>
        tpu.enqueue_dma source(%arg17 : memref<2048xf32, #tpu.memory_space<vmem>>) target(%dma_start3A_148 : memref<2048xf32, #tpu.memory_space<hbm>>) target_semaphore(%run_scoped3A_143 : memref<!tpu.dma_semaphore, #tpu.memory_space<semaphore_mem>>)
        %dma_wait3A = arith.constant 0 : i32
        %dma_wait3A_149 = tpu.memref_slice %arg14[%run_scoped3A_114, %select_n3A, %dma_wait3A] : memref<12x8x2048xf32, #tpu.memory_space<hbm>> -> memref<1x1x2048xf32, #tpu.memory_space<hbm>>
        %dma_wait3A_150 = tpu.memref_squeeze %dma_wait3A_149 : memref<1x1x2048xf32, #tpu.memory_space<hbm>> -> memref<2048xf32, #tpu.memory_space<hbm>>
        %dma_wait3A_151 = arith.constant 0 : i32
        %dma_wait3A_152 = tpu.memref_slice %arg14[%run_scoped3A_114, %select_n3A, %dma_wait3A_151] : memref<12x8x2048xf32, #tpu.memory_space<hbm>> -> memref<1x1x2048xf32, #tpu.memory_space<hbm>>
        %dma_wait3A_153 = tpu.memref_squeeze %dma_wait3A_152 : memref<1x1x2048xf32, #tpu.memory_space<hbm>> -> memref<2048xf32, #tpu.memory_space<hbm>>
        tpu.wait_dma2 semaphore(%run_scoped3A_143 : memref<!tpu.dma_semaphore, #tpu.memory_space<semaphore_mem>>) src(%arg17 : memref<2048xf32, #tpu.memory_space<vmem>>) dst(%dma_wait3A_153 : memref<2048xf32, #tpu.memory_space<hbm>>)
        tpu.yield
      }) : () -> ()
      %run_scoped3A_115 = arith.constant 9 : i32
      "tpu.region"() ({
        %run_scoped3A_143 = tpu.sem_alloc : memref<!tpu.dma_semaphore, #tpu.memory_space<semaphore_mem>>
        %dma_start3A = arith.constant 0 : i32
        %dma_start3A_144 = tpu.memref_slice %arg7[%run_scoped3A_115, %select_n3A, %dma_start3A] : memref<17x8x16384xf32, #tpu.memory_space<hbm>> -> memref<1x1x16384xf32, #tpu.memory_space<hbm>>
        %dma_start3A_145 = tpu.memref_squeeze %dma_start3A_144 : memref<1x1x16384xf32, #tpu.memory_space<hbm>> -> memref<16384xf32, #tpu.memory_space<hbm>>
        %dma_start3A_146 = arith.constant 0 : i32
        %dma_start3A_147 = tpu.memref_slice %arg7[%run_scoped3A_115, %select_n3A, %dma_start3A_146] : memref<17x8x16384xf32, #tpu.memory_space<hbm>> -> memref<1x1x16384xf32, #tpu.memory_space<hbm>>
        %dma_start3A_148 = tpu.memref_squeeze %dma_start3A_147 : memref<1x1x16384xf32, #tpu.memory_space<hbm>> -> memref<16384xf32, #tpu.memory_space<hbm>>
        tpu.enqueue_dma source(%dma_start3A_148 : memref<16384xf32, #tpu.memory_space<hbm>>) target(%arg16 : memref<16384xf32, #tpu.memory_space<vmem>>) target_semaphore(%run_scoped3A_143 : memref<!tpu.dma_semaphore, #tpu.memory_space<semaphore_mem>>)
        %dma_wait3A = arith.constant 0 : i32
        %dma_wait3A_149 = tpu.memref_slice %arg7[%run_scoped3A_115, %select_n3A, %dma_wait3A] : memref<17x8x16384xf32, #tpu.memory_space<hbm>> -> memref<1x1x16384xf32, #tpu.memory_space<hbm>>
        %dma_wait3A_150 = tpu.memref_squeeze %dma_wait3A_149 : memref<1x1x16384xf32, #tpu.memory_space<hbm>> -> memref<16384xf32, #tpu.memory_space<hbm>>
        %dma_wait3A_151 = arith.constant 0 : i32
        %dma_wait3A_152 = tpu.memref_slice %arg7[%run_scoped3A_115, %select_n3A, %dma_wait3A_151] : memref<17x8x16384xf32, #tpu.memory_space<hbm>> -> memref<1x1x16384xf32, #tpu.memory_space<hbm>>
        %dma_wait3A_153 = tpu.memref_squeeze %dma_wait3A_152 : memref<1x1x16384xf32, #tpu.memory_space<hbm>> -> memref<16384xf32, #tpu.memory_space<hbm>>
        tpu.wait_dma2 semaphore(%run_scoped3A_143 : memref<!tpu.dma_semaphore, #tpu.memory_space<semaphore_mem>>) src(%dma_wait3A_153 : memref<16384xf32, #tpu.memory_space<hbm>>) dst(%arg16 : memref<16384xf32, #tpu.memory_space<vmem>>)
        tpu.yield
      }) : () -> ()
      %scan3A_116 = arith.constant 0 : i32
      %scan3A_117 = arith.constant 128 : i32
      %scan3A_118 = arith.addi %scan3A_116, %scan3A_117 : i32
      %scan3A_119 = arith.constant 1 : i32
      scf.for %scan3A_143 = %scan3A_116 to %scan3A_118 step %scan3A_119  : i32 {
        %mul3A_144 = arith.constant 1 : i32
        %mul3A_145 = arith.muli %scan3A_143, %mul3A_144 : i32
        %add3A_146 = arith.constant 0 : i32
        %add3A_147 = arith.addi %add3A_146, %mul3A_145 : i32
        %mul3A_148 = arith.constant 16 : i32
        %mul3A_149 = arith.muli %add3A_147, %mul3A_148 : i32
        %get3A = arith.index_cast %mul3A_149 : i32 to index
        %get3A_150 = tpu.vector_load %arg15[%get3A] {strides = array<i32>} : memref<2048xi32, #tpu.memory_space<vmem>>, vector<16xi32>,
        %gather3A = tpu.vector_load_idx %arg16[%get3A_150] : memref<16384xf32, #tpu.memory_space<vmem>>[vector<16xi32>], vector<16xf32>,
        %mul3A_151 = arith.constant 16 : i32
        %mul3A_152 = arith.muli %add3A_147, %mul3A_151 : i32
        %swap3A = arith.index_cast %mul3A_152 : i32 to index
        %swap3A_153 = tpu.vector_load %arg17[%swap3A] {strides = array<i32>} : memref<2048xf32, #tpu.memory_space<vmem>>, vector<16xf32>,
        tpu.vector_store %arg17[%swap3A], %gather3A {strides = array<i32>} : memref<2048xf32, #tpu.memory_space<vmem>>, vector<16xf32>,
      }
      %scan3A_120 = arith.constant 128 : i32
      %run_scoped3A_121 = arith.constant 8 : i32
      "tpu.region"() ({
        %run_scoped3A_143 = tpu.sem_alloc : memref<!tpu.dma_semaphore, #tpu.memory_space<semaphore_mem>>
        %dma_start3A = arith.constant 0 : i32
        %dma_start3A_144 = tpu.memref_slice %arg14[%run_scoped3A_121, %select_n3A, %dma_start3A] : memref<12x8x2048xf32, #tpu.memory_space<hbm>> -> memref<1x1x2048xf32, #tpu.memory_space<hbm>>
        %dma_start3A_145 = tpu.memref_squeeze %dma_start3A_144 : memref<1x1x2048xf32, #tpu.memory_space<hbm>> -> memref<2048xf32, #tpu.memory_space<hbm>>
        %dma_start3A_146 = arith.constant 0 : i32
        %dma_start3A_147 = tpu.memref_slice %arg14[%run_scoped3A_121, %select_n3A, %dma_start3A_146] : memref<12x8x2048xf32, #tpu.memory_space<hbm>> -> memref<1x1x2048xf32, #tpu.memory_space<hbm>>
        %dma_start3A_148 = tpu.memref_squeeze %dma_start3A_147 : memref<1x1x2048xf32, #tpu.memory_space<hbm>> -> memref<2048xf32, #tpu.memory_space<hbm>>
        tpu.enqueue_dma source(%arg17 : memref<2048xf32, #tpu.memory_space<vmem>>) target(%dma_start3A_148 : memref<2048xf32, #tpu.memory_space<hbm>>) target_semaphore(%run_scoped3A_143 : memref<!tpu.dma_semaphore, #tpu.memory_space<semaphore_mem>>)
        %dma_wait3A = arith.constant 0 : i32
        %dma_wait3A_149 = tpu.memref_slice %arg14[%run_scoped3A_121, %select_n3A, %dma_wait3A] : memref<12x8x2048xf32, #tpu.memory_space<hbm>> -> memref<1x1x2048xf32, #tpu.memory_space<hbm>>
        %dma_wait3A_150 = tpu.memref_squeeze %dma_wait3A_149 : memref<1x1x2048xf32, #tpu.memory_space<hbm>> -> memref<2048xf32, #tpu.memory_space<hbm>>
        %dma_wait3A_151 = arith.constant 0 : i32
        %dma_wait3A_152 = tpu.memref_slice %arg14[%run_scoped3A_121, %select_n3A, %dma_wait3A_151] : memref<12x8x2048xf32, #tpu.memory_space<hbm>> -> memref<1x1x2048xf32, #tpu.memory_space<hbm>>
        %dma_wait3A_153 = tpu.memref_squeeze %dma_wait3A_152 : memref<1x1x2048xf32, #tpu.memory_space<hbm>> -> memref<2048xf32, #tpu.memory_space<hbm>>
        tpu.wait_dma2 semaphore(%run_scoped3A_143 : memref<!tpu.dma_semaphore, #tpu.memory_space<semaphore_mem>>) src(%arg17 : memref<2048xf32, #tpu.memory_space<vmem>>) dst(%dma_wait3A_153 : memref<2048xf32, #tpu.memory_space<hbm>>)
        tpu.yield
      }) : () -> ()
      %run_scoped3A_122 = arith.constant 10 : i32
      "tpu.region"() ({
        %run_scoped3A_143 = tpu.sem_alloc : memref<!tpu.dma_semaphore, #tpu.memory_space<semaphore_mem>>
        %dma_start3A = arith.constant 0 : i32
        %dma_start3A_144 = tpu.memref_slice %arg7[%run_scoped3A_122, %select_n3A, %dma_start3A] : memref<17x8x16384xf32, #tpu.memory_space<hbm>> -> memref<1x1x16384xf32, #tpu.memory_space<hbm>>
        %dma_start3A_145 = tpu.memref_squeeze %dma_start3A_144 : memref<1x1x16384xf32, #tpu.memory_space<hbm>> -> memref<16384xf32, #tpu.memory_space<hbm>>
        %dma_start3A_146 = arith.constant 0 : i32
        %dma_start3A_147 = tpu.memref_slice %arg7[%run_scoped3A_122, %select_n3A, %dma_start3A_146] : memref<17x8x16384xf32, #tpu.memory_space<hbm>> -> memref<1x1x16384xf32, #tpu.memory_space<hbm>>
        %dma_start3A_148 = tpu.memref_squeeze %dma_start3A_147 : memref<1x1x16384xf32, #tpu.memory_space<hbm>> -> memref<16384xf32, #tpu.memory_space<hbm>>
        tpu.enqueue_dma source(%dma_start3A_148 : memref<16384xf32, #tpu.memory_space<hbm>>) target(%arg16 : memref<16384xf32, #tpu.memory_space<vmem>>) target_semaphore(%run_scoped3A_143 : memref<!tpu.dma_semaphore, #tpu.memory_space<semaphore_mem>>)
        %dma_wait3A = arith.constant 0 : i32
        %dma_wait3A_149 = tpu.memref_slice %arg7[%run_scoped3A_122, %select_n3A, %dma_wait3A] : memref<17x8x16384xf32, #tpu.memory_space<hbm>> -> memref<1x1x16384xf32, #tpu.memory_space<hbm>>
        %dma_wait3A_150 = tpu.memref_squeeze %dma_wait3A_149 : memref<1x1x16384xf32, #tpu.memory_space<hbm>> -> memref<16384xf32, #tpu.memory_space<hbm>>
        %dma_wait3A_151 = arith.constant 0 : i32
        %dma_wait3A_152 = tpu.memref_slice %arg7[%run_scoped3A_122, %select_n3A, %dma_wait3A_151] : memref<17x8x16384xf32, #tpu.memory_space<hbm>> -> memref<1x1x16384xf32, #tpu.memory_space<hbm>>
        %dma_wait3A_153 = tpu.memref_squeeze %dma_wait3A_152 : memref<1x1x16384xf32, #tpu.memory_space<hbm>> -> memref<16384xf32, #tpu.memory_space<hbm>>
        tpu.wait_dma2 semaphore(%run_scoped3A_143 : memref<!tpu.dma_semaphore, #tpu.memory_space<semaphore_mem>>) src(%dma_wait3A_153 : memref<16384xf32, #tpu.memory_space<hbm>>) dst(%arg16 : memref<16384xf32, #tpu.memory_space<vmem>>)
        tpu.yield
      }) : () -> ()
      %scan3A_123 = arith.constant 0 : i32
      %scan3A_124 = arith.constant 128 : i32
      %scan3A_125 = arith.addi %scan3A_123, %scan3A_124 : i32
      %scan3A_126 = arith.constant 1 : i32
      scf.for %scan3A_143 = %scan3A_123 to %scan3A_125 step %scan3A_126  : i32 {
        %mul3A_144 = arith.constant 1 : i32
        %mul3A_145 = arith.muli %scan3A_143, %mul3A_144 : i32
        %add3A_146 = arith.constant 0 : i32
        %add3A_147 = arith.addi %add3A_146, %mul3A_145 : i32
        %mul3A_148 = arith.constant 16 : i32
        %mul3A_149 = arith.muli %add3A_147, %mul3A_148 : i32
        %get3A = arith.index_cast %mul3A_149 : i32 to index
        %get3A_150 = tpu.vector_load %arg15[%get3A] {strides = array<i32>} : memref<2048xi32, #tpu.memory_space<vmem>>, vector<16xi32>,
        %gather3A = tpu.vector_load_idx %arg16[%get3A_150] : memref<16384xf32, #tpu.memory_space<vmem>>[vector<16xi32>], vector<16xf32>,
        %mul3A_151 = arith.constant 16 : i32
        %mul3A_152 = arith.muli %add3A_147, %mul3A_151 : i32
        %swap3A = arith.index_cast %mul3A_152 : i32 to index
        %swap3A_153 = tpu.vector_load %arg17[%swap3A] {strides = array<i32>} : memref<2048xf32, #tpu.memory_space<vmem>>, vector<16xf32>,
        tpu.vector_store %arg17[%swap3A], %gather3A {strides = array<i32>} : memref<2048xf32, #tpu.memory_space<vmem>>, vector<16xf32>,
      }
      %scan3A_127 = arith.constant 128 : i32
      %run_scoped3A_128 = arith.constant 9 : i32
      "tpu.region"() ({
        %run_scoped3A_143 = tpu.sem_alloc : memref<!tpu.dma_semaphore, #tpu.memory_space<semaphore_mem>>
        %dma_start3A = arith.constant 0 : i32
        %dma_start3A_144 = tpu.memref_slice %arg14[%run_scoped3A_128, %select_n3A, %dma_start3A] : memref<12x8x2048xf32, #tpu.memory_space<hbm>> -> memref<1x1x2048xf32, #tpu.memory_space<hbm>>
        %dma_start3A_145 = tpu.memref_squeeze %dma_start3A_144 : memref<1x1x2048xf32, #tpu.memory_space<hbm>> -> memref<2048xf32, #tpu.memory_space<hbm>>
        %dma_start3A_146 = arith.constant 0 : i32
        %dma_start3A_147 = tpu.memref_slice %arg14[%run_scoped3A_128, %select_n3A, %dma_start3A_146] : memref<12x8x2048xf32, #tpu.memory_space<hbm>> -> memref<1x1x2048xf32, #tpu.memory_space<hbm>>
        %dma_start3A_148 = tpu.memref_squeeze %dma_start3A_147 : memref<1x1x2048xf32, #tpu.memory_space<hbm>> -> memref<2048xf32, #tpu.memory_space<hbm>>
        tpu.enqueue_dma source(%arg17 : memref<2048xf32, #tpu.memory_space<vmem>>) target(%dma_start3A_148 : memref<2048xf32, #tpu.memory_space<hbm>>) target_semaphore(%run_scoped3A_143 : memref<!tpu.dma_semaphore, #tpu.memory_space<semaphore_mem>>)
        %dma_wait3A = arith.constant 0 : i32
        %dma_wait3A_149 = tpu.memref_slice %arg14[%run_scoped3A_128, %select_n3A, %dma_wait3A] : memref<12x8x2048xf32, #tpu.memory_space<hbm>> -> memref<1x1x2048xf32, #tpu.memory_space<hbm>>
        %dma_wait3A_150 = tpu.memref_squeeze %dma_wait3A_149 : memref<1x1x2048xf32, #tpu.memory_space<hbm>> -> memref<2048xf32, #tpu.memory_space<hbm>>
        %dma_wait3A_151 = arith.constant 0 : i32
        %dma_wait3A_152 = tpu.memref_slice %arg14[%run_scoped3A_128, %select_n3A, %dma_wait3A_151] : memref<12x8x2048xf32, #tpu.memory_space<hbm>> -> memref<1x1x2048xf32, #tpu.memory_space<hbm>>
        %dma_wait3A_153 = tpu.memref_squeeze %dma_wait3A_152 : memref<1x1x2048xf32, #tpu.memory_space<hbm>> -> memref<2048xf32, #tpu.memory_space<hbm>>
        tpu.wait_dma2 semaphore(%run_scoped3A_143 : memref<!tpu.dma_semaphore, #tpu.memory_space<semaphore_mem>>) src(%arg17 : memref<2048xf32, #tpu.memory_space<vmem>>) dst(%dma_wait3A_153 : memref<2048xf32, #tpu.memory_space<hbm>>)
        tpu.yield
      }) : () -> ()
      %run_scoped3A_129 = arith.constant 11 : i32
      "tpu.region"() ({
        %run_scoped3A_143 = tpu.sem_alloc : memref<!tpu.dma_semaphore, #tpu.memory_space<semaphore_mem>>
        %dma_start3A = arith.constant 0 : i32
        %dma_start3A_144 = tpu.memref_slice %arg7[%run_scoped3A_129, %select_n3A, %dma_start3A] : memref<17x8x16384xf32, #tpu.memory_space<hbm>> -> memref<1x1x16384xf32, #tpu.memory_space<hbm>>
        %dma_start3A_145 = tpu.memref_squeeze %dma_start3A_144 : memref<1x1x16384xf32, #tpu.memory_space<hbm>> -> memref<16384xf32, #tpu.memory_space<hbm>>
        %dma_start3A_146 = arith.constant 0 : i32
        %dma_start3A_147 = tpu.memref_slice %arg7[%run_scoped3A_129, %select_n3A, %dma_start3A_146] : memref<17x8x16384xf32, #tpu.memory_space<hbm>> -> memref<1x1x16384xf32, #tpu.memory_space<hbm>>
        %dma_start3A_148 = tpu.memref_squeeze %dma_start3A_147 : memref<1x1x16384xf32, #tpu.memory_space<hbm>> -> memref<16384xf32, #tpu.memory_space<hbm>>
        tpu.enqueue_dma source(%dma_start3A_148 : memref<16384xf32, #tpu.memory_space<hbm>>) target(%arg16 : memref<16384xf32, #tpu.memory_space<vmem>>) target_semaphore(%run_scoped3A_143 : memref<!tpu.dma_semaphore, #tpu.memory_space<semaphore_mem>>)
        %dma_wait3A = arith.constant 0 : i32
        %dma_wait3A_149 = tpu.memref_slice %arg7[%run_scoped3A_129, %select_n3A, %dma_wait3A] : memref<17x8x16384xf32, #tpu.memory_space<hbm>> -> memref<1x1x16384xf32, #tpu.memory_space<hbm>>
        %dma_wait3A_150 = tpu.memref_squeeze %dma_wait3A_149 : memref<1x1x16384xf32, #tpu.memory_space<hbm>> -> memref<16384xf32, #tpu.memory_space<hbm>>
        %dma_wait3A_151 = arith.constant 0 : i32
        %dma_wait3A_152 = tpu.memref_slice %arg7[%run_scoped3A_129, %select_n3A, %dma_wait3A_151] : memref<17x8x16384xf32, #tpu.memory_space<hbm>> -> memref<1x1x16384xf32, #tpu.memory_space<hbm>>
        %dma_wait3A_153 = tpu.memref_squeeze %dma_wait3A_152 : memref<1x1x16384xf32, #tpu.memory_space<hbm>> -> memref<16384xf32, #tpu.memory_space<hbm>>
        tpu.wait_dma2 semaphore(%run_scoped3A_143 : memref<!tpu.dma_semaphore, #tpu.memory_space<semaphore_mem>>) src(%dma_wait3A_153 : memref<16384xf32, #tpu.memory_space<hbm>>) dst(%arg16 : memref<16384xf32, #tpu.memory_space<vmem>>)
        tpu.yield
      }) : () -> ()
      %scan3A_130 = arith.constant 0 : i32
      %scan3A_131 = arith.constant 128 : i32
      %scan3A_132 = arith.addi %scan3A_130, %scan3A_131 : i32
      %scan3A_133 = arith.constant 1 : i32
      scf.for %scan3A_143 = %scan3A_130 to %scan3A_132 step %scan3A_133  : i32 {
        %mul3A_144 = arith.constant 1 : i32
        %mul3A_145 = arith.muli %scan3A_143, %mul3A_144 : i32
        %add3A_146 = arith.constant 0 : i32
        %add3A_147 = arith.addi %add3A_146, %mul3A_145 : i32
        %mul3A_148 = arith.constant 16 : i32
        %mul3A_149 = arith.muli %add3A_147, %mul3A_148 : i32
        %get3A = arith.index_cast %mul3A_149 : i32 to index
        %get3A_150 = tpu.vector_load %arg15[%get3A] {strides = array<i32>} : memref<2048xi32, #tpu.memory_space<vmem>>, vector<16xi32>,
        %gather3A = tpu.vector_load_idx %arg16[%get3A_150] : memref<16384xf32, #tpu.memory_space<vmem>>[vector<16xi32>], vector<16xf32>,
        %mul3A_151 = arith.constant 16 : i32
        %mul3A_152 = arith.muli %add3A_147, %mul3A_151 : i32
        %swap3A = arith.index_cast %mul3A_152 : i32 to index
        %swap3A_153 = tpu.vector_load %arg17[%swap3A] {strides = array<i32>} : memref<2048xf32, #tpu.memory_space<vmem>>, vector<16xf32>,
        tpu.vector_store %arg17[%swap3A], %gather3A {strides = array<i32>} : memref<2048xf32, #tpu.memory_space<vmem>>, vector<16xf32>,
      }
      %scan3A_134 = arith.constant 128 : i32
      %run_scoped3A_135 = arith.constant 10 : i32
      "tpu.region"() ({
        %run_scoped3A_143 = tpu.sem_alloc : memref<!tpu.dma_semaphore, #tpu.memory_space<semaphore_mem>>
        %dma_start3A = arith.constant 0 : i32
        %dma_start3A_144 = tpu.memref_slice %arg14[%run_scoped3A_135, %select_n3A, %dma_start3A] : memref<12x8x2048xf32, #tpu.memory_space<hbm>> -> memref<1x1x2048xf32, #tpu.memory_space<hbm>>
        %dma_start3A_145 = tpu.memref_squeeze %dma_start3A_144 : memref<1x1x2048xf32, #tpu.memory_space<hbm>> -> memref<2048xf32, #tpu.memory_space<hbm>>
        %dma_start3A_146 = arith.constant 0 : i32
        %dma_start3A_147 = tpu.memref_slice %arg14[%run_scoped3A_135, %select_n3A, %dma_start3A_146] : memref<12x8x2048xf32, #tpu.memory_space<hbm>> -> memref<1x1x2048xf32, #tpu.memory_space<hbm>>
        %dma_start3A_148 = tpu.memref_squeeze %dma_start3A_147 : memref<1x1x2048xf32, #tpu.memory_space<hbm>> -> memref<2048xf32, #tpu.memory_space<hbm>>
        tpu.enqueue_dma source(%arg17 : memref<2048xf32, #tpu.memory_space<vmem>>) target(%dma_start3A_148 : memref<2048xf32, #tpu.memory_space<hbm>>) target_semaphore(%run_scoped3A_143 : memref<!tpu.dma_semaphore, #tpu.memory_space<semaphore_mem>>)
        %dma_wait3A = arith.constant 0 : i32
        %dma_wait3A_149 = tpu.memref_slice %arg14[%run_scoped3A_135, %select_n3A, %dma_wait3A] : memref<12x8x2048xf32, #tpu.memory_space<hbm>> -> memref<1x1x2048xf32, #tpu.memory_space<hbm>>
        %dma_wait3A_150 = tpu.memref_squeeze %dma_wait3A_149 : memref<1x1x2048xf32, #tpu.memory_space<hbm>> -> memref<2048xf32, #tpu.memory_space<hbm>>
        %dma_wait3A_151 = arith.constant 0 : i32
        %dma_wait3A_152 = tpu.memref_slice %arg14[%run_scoped3A_135, %select_n3A, %dma_wait3A_151] : memref<12x8x2048xf32, #tpu.memory_space<hbm>> -> memref<1x1x2048xf32, #tpu.memory_space<hbm>>
        %dma_wait3A_153 = tpu.memref_squeeze %dma_wait3A_152 : memref<1x1x2048xf32, #tpu.memory_space<hbm>> -> memref<2048xf32, #tpu.memory_space<hbm>>
        tpu.wait_dma2 semaphore(%run_scoped3A_143 : memref<!tpu.dma_semaphore, #tpu.memory_space<semaphore_mem>>) src(%arg17 : memref<2048xf32, #tpu.memory_space<vmem>>) dst(%dma_wait3A_153 : memref<2048xf32, #tpu.memory_space<hbm>>)
        tpu.yield
      }) : () -> ()
      %run_scoped3A_136 = arith.constant 12 : i32
      "tpu.region"() ({
        %run_scoped3A_143 = tpu.sem_alloc : memref<!tpu.dma_semaphore, #tpu.memory_space<semaphore_mem>>
        %dma_start3A = arith.constant 0 : i32
        %dma_start3A_144 = tpu.memref_slice %arg7[%run_scoped3A_136, %select_n3A, %dma_start3A] : memref<17x8x16384xf32, #tpu.memory_space<hbm>> -> memref<1x1x16384xf32, #tpu.memory_space<hbm>>
        %dma_start3A_145 = tpu.memref_squeeze %dma_start3A_144 : memref<1x1x16384xf32, #tpu.memory_space<hbm>> -> memref<16384xf32, #tpu.memory_space<hbm>>
        %dma_start3A_146 = arith.constant 0 : i32
        %dma_start3A_147 = tpu.memref_slice %arg7[%run_scoped3A_136, %select_n3A, %dma_start3A_146] : memref<17x8x16384xf32, #tpu.memory_space<hbm>> -> memref<1x1x16384xf32, #tpu.memory_space<hbm>>
        %dma_start3A_148 = tpu.memref_squeeze %dma_start3A_147 : memref<1x1x16384xf32, #tpu.memory_space<hbm>> -> memref<16384xf32, #tpu.memory_space<hbm>>
        tpu.enqueue_dma source(%dma_start3A_148 : memref<16384xf32, #tpu.memory_space<hbm>>) target(%arg16 : memref<16384xf32, #tpu.memory_space<vmem>>) target_semaphore(%run_scoped3A_143 : memref<!tpu.dma_semaphore, #tpu.memory_space<semaphore_mem>>)
        %dma_wait3A = arith.constant 0 : i32
        %dma_wait3A_149 = tpu.memref_slice %arg7[%run_scoped3A_136, %select_n3A, %dma_wait3A] : memref<17x8x16384xf32, #tpu.memory_space<hbm>> -> memref<1x1x16384xf32, #tpu.memory_space<hbm>>
        %dma_wait3A_150 = tpu.memref_squeeze %dma_wait3A_149 : memref<1x1x16384xf32, #tpu.memory_space<hbm>> -> memref<16384xf32, #tpu.memory_space<hbm>>
        %dma_wait3A_151 = arith.constant 0 : i32
        %dma_wait3A_152 = tpu.memref_slice %arg7[%run_scoped3A_136, %select_n3A, %dma_wait3A_151] : memref<17x8x16384xf32, #tpu.memory_space<hbm>> -> memref<1x1x16384xf32, #tpu.memory_space<hbm>>
        %dma_wait3A_153 = tpu.memref_squeeze %dma_wait3A_152 : memref<1x1x16384xf32, #tpu.memory_space<hbm>> -> memref<16384xf32, #tpu.memory_space<hbm>>
        tpu.wait_dma2 semaphore(%run_scoped3A_143 : memref<!tpu.dma_semaphore, #tpu.memory_space<semaphore_mem>>) src(%dma_wait3A_153 : memref<16384xf32, #tpu.memory_space<hbm>>) dst(%arg16 : memref<16384xf32, #tpu.memory_space<vmem>>)
        tpu.yield
      }) : () -> ()
      %scan3A_137 = arith.constant 0 : i32
      %scan3A_138 = arith.constant 128 : i32
      %scan3A_139 = arith.addi %scan3A_137, %scan3A_138 : i32
      %scan3A_140 = arith.constant 1 : i32
      scf.for %scan3A_143 = %scan3A_137 to %scan3A_139 step %scan3A_140  : i32 {
        %mul3A_144 = arith.constant 1 : i32
        %mul3A_145 = arith.muli %scan3A_143, %mul3A_144 : i32
        %add3A_146 = arith.constant 0 : i32
        %add3A_147 = arith.addi %add3A_146, %mul3A_145 : i32
        %mul3A_148 = arith.constant 16 : i32
        %mul3A_149 = arith.muli %add3A_147, %mul3A_148 : i32
        %get3A = arith.index_cast %mul3A_149 : i32 to index
        %get3A_150 = tpu.vector_load %arg15[%get3A] {strides = array<i32>} : memref<2048xi32, #tpu.memory_space<vmem>>, vector<16xi32>,
        %gather3A = tpu.vector_load_idx %arg16[%get3A_150] : memref<16384xf32, #tpu.memory_space<vmem>>[vector<16xi32>], vector<16xf32>,
        %mul3A_151 = arith.constant 16 : i32
        %mul3A_152 = arith.muli %add3A_147, %mul3A_151 : i32
        %swap3A = arith.index_cast %mul3A_152 : i32 to index
        %swap3A_153 = tpu.vector_load %arg17[%swap3A] {strides = array<i32>} : memref<2048xf32, #tpu.memory_space<vmem>>, vector<16xf32>,
        tpu.vector_store %arg17[%swap3A], %gather3A {strides = array<i32>} : memref<2048xf32, #tpu.memory_space<vmem>>, vector<16xf32>,
      }
      %scan3A_141 = arith.constant 128 : i32
      %run_scoped3A_142 = arith.constant 11 : i32
      "tpu.region"() ({
        %run_scoped3A_143 = tpu.sem_alloc : memref<!tpu.dma_semaphore, #tpu.memory_space<semaphore_mem>>
        %dma_start3A = arith.constant 0 : i32
        %dma_start3A_144 = tpu.memref_slice %arg14[%run_scoped3A_142, %select_n3A, %dma_start3A] : memref<12x8x2048xf32, #tpu.memory_space<hbm>> -> memref<1x1x2048xf32, #tpu.memory_space<hbm>>
        %dma_start3A_145 = tpu.memref_squeeze %dma_start3A_144 : memref<1x1x2048xf32, #tpu.memory_space<hbm>> -> memref<2048xf32, #tpu.memory_space<hbm>>
        %dma_start3A_146 = arith.constant 0 : i32
        %dma_start3A_147 = tpu.memref_slice %arg14[%run_scoped3A_142, %select_n3A, %dma_start3A_146] : memref<12x8x2048xf32, #tpu.memory_space<hbm>> -> memref<1x1x2048xf32, #tpu.memory_space<hbm>>
        %dma_start3A_148 = tpu.memref_squeeze %dma_start3A_147 : memref<1x1x2048xf32, #tpu.memory_space<hbm>> -> memref<2048xf32, #tpu.memory_space<hbm>>
        tpu.enqueue_dma source(%arg17 : memref<2048xf32, #tpu.memory_space<vmem>>) target(%dma_start3A_148 : memref<2048xf32, #tpu.memory_space<hbm>>) target_semaphore(%run_scoped3A_143 : memref<!tpu.dma_semaphore, #tpu.memory_space<semaphore_mem>>)
        %dma_wait3A = arith.constant 0 : i32
        %dma_wait3A_149 = tpu.memref_slice %arg14[%run_scoped3A_142, %select_n3A, %dma_wait3A] : memref<12x8x2048xf32, #tpu.memory_space<hbm>> -> memref<1x1x2048xf32, #tpu.memory_space<hbm>>
        %dma_wait3A_150 = tpu.memref_squeeze %dma_wait3A_149 : memref<1x1x2048xf32, #tpu.memory_space<hbm>> -> memref<2048xf32, #tpu.memory_space<hbm>>
        %dma_wait3A_151 = arith.constant 0 : i32
        %dma_wait3A_152 = tpu.memref_slice %arg14[%run_scoped3A_142, %select_n3A, %dma_wait3A_151] : memref<12x8x2048xf32, #tpu.memory_space<hbm>> -> memref<1x1x2048xf32, #tpu.memory_space<hbm>>
        %dma_wait3A_153 = tpu.memref_squeeze %dma_wait3A_152 : memref<1x1x2048xf32, #tpu.memory_space<hbm>> -> memref<2048xf32, #tpu.memory_space<hbm>>
        tpu.wait_dma2 semaphore(%run_scoped3A_143 : memref<!tpu.dma_semaphore, #tpu.memory_space<semaphore_mem>>) src(%arg17 : memref<2048xf32, #tpu.memory_space<vmem>>) dst(%dma_wait3A_153 : memref<2048xf32, #tpu.memory_space<hbm>>)
        tpu.yield
      }) : () -> ()
    } else {
    }
    %scan3A = arith.constant 0 : i32
    %scan3A_41 = arith.constant 64 : i32
    %scan3A_42 = arith.addi %scan3A, %scan3A_41 : i32
    %scan3A_43 = arith.constant 1 : i32
    scf.for %scan3A_60 = %scan3A to %scan3A_42 step %scan3A_43  : i32 {
      %mul3A_61 = arith.constant 1 : i32
      %mul3A_62 = arith.muli %scan3A_60, %mul3A_61 : i32
      %add3A_63 = arith.constant 0 : i32
      %add3A_64 = arith.addi %add3A_63, %mul3A_62 : i32
      %mul3A_65 = arith.constant 64 : i32
      %mul3A_66 = arith.muli %select_n3A_30, %mul3A_65 : i32
      %add3A_67 = arith.addi %mul3A_66, %add3A_64 : i32
      "tpu.region"() ({
        %run_scoped3A = tpu.sem_alloc : memref<!tpu.dma_semaphore, #tpu.memory_space<semaphore_mem>>
        %dma_start3A = arith.constant 0 : i32
        %dma_start3A_73 = tpu.memref_slice %arg2[%select_n3A, %add3A_67, %dma_start3A] : memref<8x256x16384xf32, #tpu.memory_space<hbm>> -> memref<1x1x16384xf32, #tpu.memory_space<hbm>>
        %dma_start3A_74 = tpu.memref_squeeze %dma_start3A_73 : memref<1x1x16384xf32, #tpu.memory_space<hbm>> -> memref<16384xf32, #tpu.memory_space<hbm>>
        %dma_start3A_75 = arith.constant 0 : i32
        %dma_start3A_76 = tpu.memref_slice %arg2[%select_n3A, %add3A_67, %dma_start3A_75] : memref<8x256x16384xf32, #tpu.memory_space<hbm>> -> memref<1x1x16384xf32, #tpu.memory_space<hbm>>
        %dma_start3A_77 = tpu.memref_squeeze %dma_start3A_76 : memref<1x1x16384xf32, #tpu.memory_space<hbm>> -> memref<16384xf32, #tpu.memory_space<hbm>>
        tpu.enqueue_dma source(%dma_start3A_77 : memref<16384xf32, #tpu.memory_space<hbm>>) target(%arg16 : memref<16384xf32, #tpu.memory_space<vmem>>) target_semaphore(%run_scoped3A : memref<!tpu.dma_semaphore, #tpu.memory_space<semaphore_mem>>)
        %dma_wait3A = arith.constant 0 : i32
        %dma_wait3A_78 = tpu.memref_slice %arg2[%select_n3A, %add3A_67, %dma_wait3A] : memref<8x256x16384xf32, #tpu.memory_space<hbm>> -> memref<1x1x16384xf32, #tpu.memory_space<hbm>>
        %dma_wait3A_79 = tpu.memref_squeeze %dma_wait3A_78 : memref<1x1x16384xf32, #tpu.memory_space<hbm>> -> memref<16384xf32, #tpu.memory_space<hbm>>
        %dma_wait3A_80 = arith.constant 0 : i32
        %dma_wait3A_81 = tpu.memref_slice %arg2[%select_n3A, %add3A_67, %dma_wait3A_80] : memref<8x256x16384xf32, #tpu.memory_space<hbm>> -> memref<1x1x16384xf32, #tpu.memory_space<hbm>>
        %dma_wait3A_82 = tpu.memref_squeeze %dma_wait3A_81 : memref<1x1x16384xf32, #tpu.memory_space<hbm>> -> memref<16384xf32, #tpu.memory_space<hbm>>
        tpu.wait_dma2 semaphore(%run_scoped3A : memref<!tpu.dma_semaphore, #tpu.memory_space<semaphore_mem>>) src(%dma_wait3A_82 : memref<16384xf32, #tpu.memory_space<hbm>>) dst(%arg16 : memref<16384xf32, #tpu.memory_space<vmem>>)
        tpu.yield
      }) : () -> ()
      %scan3A_68 = arith.constant 0 : i32
      %scan3A_69 = arith.constant 128 : i32
      %scan3A_70 = arith.addi %scan3A_68, %scan3A_69 : i32
      %scan3A_71 = arith.constant 1 : i32
      scf.for %scan3A_73 = %scan3A_68 to %scan3A_70 step %scan3A_71  : i32 {
        %mul3A_74 = arith.constant 1 : i32
        %mul3A_75 = arith.muli %scan3A_73, %mul3A_74 : i32
        %add3A_76 = arith.constant 0 : i32
        %add3A_77 = arith.addi %add3A_76, %mul3A_75 : i32
        %mul3A_78 = arith.constant 16 : i32
        %mul3A_79 = arith.muli %add3A_77, %mul3A_78 : i32
        %get3A = arith.index_cast %mul3A_79 : i32 to index
        %get3A_80 = tpu.vector_load %arg15[%get3A] {strides = array<i32>} : memref<2048xi32, #tpu.memory_space<vmem>>, vector<16xi32>,
        %gather3A = tpu.vector_load_idx %arg16[%get3A_80] : memref<16384xf32, #tpu.memory_space<vmem>>[vector<16xi32>], vector<16xf32>,
        %mul3A_81 = arith.constant 16 : i32
        %mul3A_82 = arith.muli %add3A_77, %mul3A_81 : i32
        %swap3A = arith.index_cast %mul3A_82 : i32 to index
        %swap3A_83 = tpu.vector_load %arg17[%swap3A] {strides = array<i32>} : memref<2048xf32, #tpu.memory_space<vmem>>, vector<16xf32>,
        tpu.vector_store %arg17[%swap3A], %gather3A {strides = array<i32>} : memref<2048xf32, #tpu.memory_space<vmem>>, vector<16xf32>,
      }
      %scan3A_72 = arith.constant 128 : i32
      "tpu.region"() ({
        %run_scoped3A = tpu.sem_alloc : memref<!tpu.dma_semaphore, #tpu.memory_space<semaphore_mem>>
        %dma_start3A = arith.constant 0 : i32
        %dma_start3A_73 = tpu.memref_slice %arg9[%select_n3A, %add3A_67, %dma_start3A] : memref<8x256x2048xf32, #tpu.memory_space<hbm>> -> memref<1x1x2048xf32, #tpu.memory_space<hbm>>
        %dma_start3A_74 = tpu.memref_squeeze %dma_start3A_73 : memref<1x1x2048xf32, #tpu.memory_space<hbm>> -> memref<2048xf32, #tpu.memory_space<hbm>>
        %dma_start3A_75 = arith.constant 0 : i32
        %dma_start3A_76 = tpu.memref_slice %arg9[%select_n3A, %add3A_67, %dma_start3A_75] : memref<8x256x2048xf32, #tpu.memory_space<hbm>> -> memref<1x1x2048xf32, #tpu.memory_space<hbm>>
        %dma_start3A_77 = tpu.memref_squeeze %dma_start3A_76 : memref<1x1x2048xf32, #tpu.memory_space<hbm>> -> memref<2048xf32, #tpu.memory_space<hbm>>
        tpu.enqueue_dma source(%arg17 : memref<2048xf32, #tpu.memory_space<vmem>>) target(%dma_start3A_77 : memref<2048xf32, #tpu.memory_space<hbm>>) target_semaphore(%run_scoped3A : memref<!tpu.dma_semaphore, #tpu.memory_space<semaphore_mem>>)
        %dma_wait3A = arith.constant 0 : i32
        %dma_wait3A_78 = tpu.memref_slice %arg9[%select_n3A, %add3A_67, %dma_wait3A] : memref<8x256x2048xf32, #tpu.memory_space<hbm>> -> memref<1x1x2048xf32, #tpu.memory_space<hbm>>
        %dma_wait3A_79 = tpu.memref_squeeze %dma_wait3A_78 : memref<1x1x2048xf32, #tpu.memory_space<hbm>> -> memref<2048xf32, #tpu.memory_space<hbm>>
        %dma_wait3A_80 = arith.constant 0 : i32
        %dma_wait3A_81 = tpu.memref_slice %arg9[%select_n3A, %add3A_67, %dma_wait3A_80] : memref<8x256x2048xf32, #tpu.memory_space<hbm>> -> memref<1x1x2048xf32, #tpu.memory_space<hbm>>
        %dma_wait3A_82 = tpu.memref_squeeze %dma_wait3A_81 : memref<1x1x2048xf32, #tpu.memory_space<hbm>> -> memref<2048xf32, #tpu.memory_space<hbm>>
        tpu.wait_dma2 semaphore(%run_scoped3A : memref<!tpu.dma_semaphore, #tpu.memory_space<semaphore_mem>>) src(%arg17 : memref<2048xf32, #tpu.memory_space<vmem>>) dst(%dma_wait3A_82 : memref<2048xf32, #tpu.memory_space<hbm>>)
        tpu.yield
      }) : () -> ()
    }
    %scan3A_44 = arith.constant 64 : i32
    %scan3A_45 = arith.constant 0 : i32
    %scan3A_46 = arith.constant 64 : i32
    %scan3A_47 = arith.addi %scan3A_45, %scan3A_46 : i32
    %scan3A_48 = arith.constant 1 : i32
    scf.for %scan3A_60 = %scan3A_45 to %scan3A_47 step %scan3A_48  : i32 {
      %mul3A_61 = arith.constant 1 : i32
      %mul3A_62 = arith.muli %scan3A_60, %mul3A_61 : i32
      %add3A_63 = arith.constant 0 : i32
      %add3A_64 = arith.addi %add3A_63, %mul3A_62 : i32
      %mul3A_65 = arith.constant 64 : i32
      %mul3A_66 = arith.muli %select_n3A_30, %mul3A_65 : i32
      %add3A_67 = arith.addi %mul3A_66, %add3A_64 : i32
      "tpu.region"() ({
        %run_scoped3A = tpu.sem_alloc : memref<!tpu.dma_semaphore, #tpu.memory_space<semaphore_mem>>
        %dma_start3A = arith.constant 0 : i32
        %dma_start3A_73 = tpu.memref_slice %arg3[%select_n3A, %add3A_67, %dma_start3A] : memref<8x256x16384xf32, #tpu.memory_space<hbm>> -> memref<1x1x16384xf32, #tpu.memory_space<hbm>>
        %dma_start3A_74 = tpu.memref_squeeze %dma_start3A_73 : memref<1x1x16384xf32, #tpu.memory_space<hbm>> -> memref<16384xf32, #tpu.memory_space<hbm>>
        %dma_start3A_75 = arith.constant 0 : i32
        %dma_start3A_76 = tpu.memref_slice %arg3[%select_n3A, %add3A_67, %dma_start3A_75] : memref<8x256x16384xf32, #tpu.memory_space<hbm>> -> memref<1x1x16384xf32, #tpu.memory_space<hbm>>
        %dma_start3A_77 = tpu.memref_squeeze %dma_start3A_76 : memref<1x1x16384xf32, #tpu.memory_space<hbm>> -> memref<16384xf32, #tpu.memory_space<hbm>>
        tpu.enqueue_dma source(%dma_start3A_77 : memref<16384xf32, #tpu.memory_space<hbm>>) target(%arg16 : memref<16384xf32, #tpu.memory_space<vmem>>) target_semaphore(%run_scoped3A : memref<!tpu.dma_semaphore, #tpu.memory_space<semaphore_mem>>)
        %dma_wait3A = arith.constant 0 : i32
        %dma_wait3A_78 = tpu.memref_slice %arg3[%select_n3A, %add3A_67, %dma_wait3A] : memref<8x256x16384xf32, #tpu.memory_space<hbm>> -> memref<1x1x16384xf32, #tpu.memory_space<hbm>>
        %dma_wait3A_79 = tpu.memref_squeeze %dma_wait3A_78 : memref<1x1x16384xf32, #tpu.memory_space<hbm>> -> memref<16384xf32, #tpu.memory_space<hbm>>
        %dma_wait3A_80 = arith.constant 0 : i32
        %dma_wait3A_81 = tpu.memref_slice %arg3[%select_n3A, %add3A_67, %dma_wait3A_80] : memref<8x256x16384xf32, #tpu.memory_space<hbm>> -> memref<1x1x16384xf32, #tpu.memory_space<hbm>>
        %dma_wait3A_82 = tpu.memref_squeeze %dma_wait3A_81 : memref<1x1x16384xf32, #tpu.memory_space<hbm>> -> memref<16384xf32, #tpu.memory_space<hbm>>
        tpu.wait_dma2 semaphore(%run_scoped3A : memref<!tpu.dma_semaphore, #tpu.memory_space<semaphore_mem>>) src(%dma_wait3A_82 : memref<16384xf32, #tpu.memory_space<hbm>>) dst(%arg16 : memref<16384xf32, #tpu.memory_space<vmem>>)
        tpu.yield
      }) : () -> ()
      %scan3A_68 = arith.constant 0 : i32
      %scan3A_69 = arith.constant 128 : i32
      %scan3A_70 = arith.addi %scan3A_68, %scan3A_69 : i32
      %scan3A_71 = arith.constant 1 : i32
      scf.for %scan3A_73 = %scan3A_68 to %scan3A_70 step %scan3A_71  : i32 {
        %mul3A_74 = arith.constant 1 : i32
        %mul3A_75 = arith.muli %scan3A_73, %mul3A_74 : i32
        %add3A_76 = arith.constant 0 : i32
        %add3A_77 = arith.addi %add3A_76, %mul3A_75 : i32
        %mul3A_78 = arith.constant 16 : i32
        %mul3A_79 = arith.muli %add3A_77, %mul3A_78 : i32
        %get3A = arith.index_cast %mul3A_79 : i32 to index
        %get3A_80 = tpu.vector_load %arg15[%get3A] {strides = array<i32>} : memref<2048xi32, #tpu.memory_space<vmem>>, vector<16xi32>,
        %gather3A = tpu.vector_load_idx %arg16[%get3A_80] : memref<16384xf32, #tpu.memory_space<vmem>>[vector<16xi32>], vector<16xf32>,
        %mul3A_81 = arith.constant 16 : i32
        %mul3A_82 = arith.muli %add3A_77, %mul3A_81 : i32
        %swap3A = arith.index_cast %mul3A_82 : i32 to index
        %swap3A_83 = tpu.vector_load %arg17[%swap3A] {strides = array<i32>} : memref<2048xf32, #tpu.memory_space<vmem>>, vector<16xf32>,
        tpu.vector_store %arg17[%swap3A], %gather3A {strides = array<i32>} : memref<2048xf32, #tpu.memory_space<vmem>>, vector<16xf32>,
      }
      %scan3A_72 = arith.constant 128 : i32
      "tpu.region"() ({
        %run_scoped3A = tpu.sem_alloc : memref<!tpu.dma_semaphore, #tpu.memory_space<semaphore_mem>>
        %dma_start3A = arith.constant 0 : i32
        %dma_start3A_73 = tpu.memref_slice %arg10[%select_n3A, %add3A_67, %dma_start3A] : memref<8x256x2048xf32, #tpu.memory_space<hbm>> -> memref<1x1x2048xf32, #tpu.memory_space<hbm>>
        %dma_start3A_74 = tpu.memref_squeeze %dma_start3A_73 : memref<1x1x2048xf32, #tpu.memory_space<hbm>> -> memref<2048xf32, #tpu.memory_space<hbm>>
        %dma_start3A_75 = arith.constant 0 : i32
        %dma_start3A_76 = tpu.memref_slice %arg10[%select_n3A, %add3A_67, %dma_start3A_75] : memref<8x256x2048xf32, #tpu.memory_space<hbm>> -> memref<1x1x2048xf32, #tpu.memory_space<hbm>>
        %dma_start3A_77 = tpu.memref_squeeze %dma_start3A_76 : memref<1x1x2048xf32, #tpu.memory_space<hbm>> -> memref<2048xf32, #tpu.memory_space<hbm>>
        tpu.enqueue_dma source(%arg17 : memref<2048xf32, #tpu.memory_space<vmem>>) target(%dma_start3A_77 : memref<2048xf32, #tpu.memory_space<hbm>>) target_semaphore(%run_scoped3A : memref<!tpu.dma_semaphore, #tpu.memory_space<semaphore_mem>>)
        %dma_wait3A = arith.constant 0 : i32
        %dma_wait3A_78 = tpu.memref_slice %arg10[%select_n3A, %add3A_67, %dma_wait3A] : memref<8x256x2048xf32, #tpu.memory_space<hbm>> -> memref<1x1x2048xf32, #tpu.memory_space<hbm>>
        %dma_wait3A_79 = tpu.memref_squeeze %dma_wait3A_78 : memref<1x1x2048xf32, #tpu.memory_space<hbm>> -> memref<2048xf32, #tpu.memory_space<hbm>>
        %dma_wait3A_80 = arith.constant 0 : i32
        %dma_wait3A_81 = tpu.memref_slice %arg10[%select_n3A, %add3A_67, %dma_wait3A_80] : memref<8x256x2048xf32, #tpu.memory_space<hbm>> -> memref<1x1x2048xf32, #tpu.memory_space<hbm>>
        %dma_wait3A_82 = tpu.memref_squeeze %dma_wait3A_81 : memref<1x1x2048xf32, #tpu.memory_space<hbm>> -> memref<2048xf32, #tpu.memory_space<hbm>>
        tpu.wait_dma2 semaphore(%run_scoped3A : memref<!tpu.dma_semaphore, #tpu.memory_space<semaphore_mem>>) src(%arg17 : memref<2048xf32, #tpu.memory_space<vmem>>) dst(%dma_wait3A_82 : memref<2048xf32, #tpu.memory_space<hbm>>)
        tpu.yield
      }) : () -> ()
    }
    %scan3A_49 = arith.constant 64 : i32
    %scan3A_50 = arith.constant 0 : i32
    %scan3A_51 = arith.constant 64 : i32
    %scan3A_52 = arith.addi %scan3A_50, %scan3A_51 : i32
    %scan3A_53 = arith.constant 1 : i32
    scf.for %scan3A_60 = %scan3A_50 to %scan3A_52 step %scan3A_53  : i32 {
      %mul3A_61 = arith.constant 1 : i32
      %mul3A_62 = arith.muli %scan3A_60, %mul3A_61 : i32
      %add3A_63 = arith.constant 0 : i32
      %add3A_64 = arith.addi %add3A_63, %mul3A_62 : i32
      %mul3A_65 = arith.constant 64 : i32
      %mul3A_66 = arith.muli %select_n3A_30, %mul3A_65 : i32
      %add3A_67 = arith.addi %mul3A_66, %add3A_64 : i32
      "tpu.region"() ({
        %run_scoped3A = tpu.sem_alloc : memref<!tpu.dma_semaphore, #tpu.memory_space<semaphore_mem>>
        %dma_start3A = arith.constant 0 : i32
        %dma_start3A_73 = tpu.memref_slice %arg4[%select_n3A, %add3A_67, %dma_start3A] : memref<8x256x16384xf32, #tpu.memory_space<hbm>> -> memref<1x1x16384xf32, #tpu.memory_space<hbm>>
        %dma_start3A_74 = tpu.memref_squeeze %dma_start3A_73 : memref<1x1x16384xf32, #tpu.memory_space<hbm>> -> memref<16384xf32, #tpu.memory_space<hbm>>
        %dma_start3A_75 = arith.constant 0 : i32
        %dma_start3A_76 = tpu.memref_slice %arg4[%select_n3A, %add3A_67, %dma_start3A_75] : memref<8x256x16384xf32, #tpu.memory_space<hbm>> -> memref<1x1x16384xf32, #tpu.memory_space<hbm>>
        %dma_start3A_77 = tpu.memref_squeeze %dma_start3A_76 : memref<1x1x16384xf32, #tpu.memory_space<hbm>> -> memref<16384xf32, #tpu.memory_space<hbm>>
        tpu.enqueue_dma source(%dma_start3A_77 : memref<16384xf32, #tpu.memory_space<hbm>>) target(%arg16 : memref<16384xf32, #tpu.memory_space<vmem>>) target_semaphore(%run_scoped3A : memref<!tpu.dma_semaphore, #tpu.memory_space<semaphore_mem>>)
        %dma_wait3A = arith.constant 0 : i32
        %dma_wait3A_78 = tpu.memref_slice %arg4[%select_n3A, %add3A_67, %dma_wait3A] : memref<8x256x16384xf32, #tpu.memory_space<hbm>> -> memref<1x1x16384xf32, #tpu.memory_space<hbm>>
        %dma_wait3A_79 = tpu.memref_squeeze %dma_wait3A_78 : memref<1x1x16384xf32, #tpu.memory_space<hbm>> -> memref<16384xf32, #tpu.memory_space<hbm>>
        %dma_wait3A_80 = arith.constant 0 : i32
        %dma_wait3A_81 = tpu.memref_slice %arg4[%select_n3A, %add3A_67, %dma_wait3A_80] : memref<8x256x16384xf32, #tpu.memory_space<hbm>> -> memref<1x1x16384xf32, #tpu.memory_space<hbm>>
        %dma_wait3A_82 = tpu.memref_squeeze %dma_wait3A_81 : memref<1x1x16384xf32, #tpu.memory_space<hbm>> -> memref<16384xf32, #tpu.memory_space<hbm>>
        tpu.wait_dma2 semaphore(%run_scoped3A : memref<!tpu.dma_semaphore, #tpu.memory_space<semaphore_mem>>) src(%dma_wait3A_82 : memref<16384xf32, #tpu.memory_space<hbm>>) dst(%arg16 : memref<16384xf32, #tpu.memory_space<vmem>>)
        tpu.yield
      }) : () -> ()
      %scan3A_68 = arith.constant 0 : i32
      %scan3A_69 = arith.constant 128 : i32
      %scan3A_70 = arith.addi %scan3A_68, %scan3A_69 : i32
      %scan3A_71 = arith.constant 1 : i32
      scf.for %scan3A_73 = %scan3A_68 to %scan3A_70 step %scan3A_71  : i32 {
        %mul3A_74 = arith.constant 1 : i32
        %mul3A_75 = arith.muli %scan3A_73, %mul3A_74 : i32
        %add3A_76 = arith.constant 0 : i32
        %add3A_77 = arith.addi %add3A_76, %mul3A_75 : i32
        %mul3A_78 = arith.constant 16 : i32
        %mul3A_79 = arith.muli %add3A_77, %mul3A_78 : i32
        %get3A = arith.index_cast %mul3A_79 : i32 to index
        %get3A_80 = tpu.vector_load %arg15[%get3A] {strides = array<i32>} : memref<2048xi32, #tpu.memory_space<vmem>>, vector<16xi32>,
        %gather3A = tpu.vector_load_idx %arg16[%get3A_80] : memref<16384xf32, #tpu.memory_space<vmem>>[vector<16xi32>], vector<16xf32>,
        %mul3A_81 = arith.constant 16 : i32
        %mul3A_82 = arith.muli %add3A_77, %mul3A_81 : i32
        %swap3A = arith.index_cast %mul3A_82 : i32 to index
        %swap3A_83 = tpu.vector_load %arg17[%swap3A] {strides = array<i32>} : memref<2048xf32, #tpu.memory_space<vmem>>, vector<16xf32>,
        tpu.vector_store %arg17[%swap3A], %gather3A {strides = array<i32>} : memref<2048xf32, #tpu.memory_space<vmem>>, vector<16xf32>,
      }
      %scan3A_72 = arith.constant 128 : i32
      "tpu.region"() ({
        %run_scoped3A = tpu.sem_alloc : memref<!tpu.dma_semaphore, #tpu.memory_space<semaphore_mem>>
        %dma_start3A = arith.constant 0 : i32
        %dma_start3A_73 = tpu.memref_slice %arg11[%select_n3A, %add3A_67, %dma_start3A] : memref<8x256x2048xf32, #tpu.memory_space<hbm>> -> memref<1x1x2048xf32, #tpu.memory_space<hbm>>
        %dma_start3A_74 = tpu.memref_squeeze %dma_start3A_73 : memref<1x1x2048xf32, #tpu.memory_space<hbm>> -> memref<2048xf32, #tpu.memory_space<hbm>>
        %dma_start3A_75 = arith.constant 0 : i32
        %dma_start3A_76 = tpu.memref_slice %arg11[%select_n3A, %add3A_67, %dma_start3A_75] : memref<8x256x2048xf32, #tpu.memory_space<hbm>> -> memref<1x1x2048xf32, #tpu.memory_space<hbm>>
        %dma_start3A_77 = tpu.memref_squeeze %dma_start3A_76 : memref<1x1x2048xf32, #tpu.memory_space<hbm>> -> memref<2048xf32, #tpu.memory_space<hbm>>
        tpu.enqueue_dma source(%arg17 : memref<2048xf32, #tpu.memory_space<vmem>>) target(%dma_start3A_77 : memref<2048xf32, #tpu.memory_space<hbm>>) target_semaphore(%run_scoped3A : memref<!tpu.dma_semaphore, #tpu.memory_space<semaphore_mem>>)
        %dma_wait3A = arith.constant 0 : i32
        %dma_wait3A_78 = tpu.memref_slice %arg11[%select_n3A, %add3A_67, %dma_wait3A] : memref<8x256x2048xf32, #tpu.memory_space<hbm>> -> memref<1x1x2048xf32, #tpu.memory_space<hbm>>
        %dma_wait3A_79 = tpu.memref_squeeze %dma_wait3A_78 : memref<1x1x2048xf32, #tpu.memory_space<hbm>> -> memref<2048xf32, #tpu.memory_space<hbm>>
        %dma_wait3A_80 = arith.constant 0 : i32
        %dma_wait3A_81 = tpu.memref_slice %arg11[%select_n3A, %add3A_67, %dma_wait3A_80] : memref<8x256x2048xf32, #tpu.memory_space<hbm>> -> memref<1x1x2048xf32, #tpu.memory_space<hbm>>
        %dma_wait3A_82 = tpu.memref_squeeze %dma_wait3A_81 : memref<1x1x2048xf32, #tpu.memory_space<hbm>> -> memref<2048xf32, #tpu.memory_space<hbm>>
        tpu.wait_dma2 semaphore(%run_scoped3A : memref<!tpu.dma_semaphore, #tpu.memory_space<semaphore_mem>>) src(%arg17 : memref<2048xf32, #tpu.memory_space<vmem>>) dst(%dma_wait3A_82 : memref<2048xf32, #tpu.memory_space<hbm>>)
        tpu.yield
      }) : () -> ()
    }
    %scan3A_54 = arith.constant 64 : i32
    %scan3A_55 = arith.constant 0 : i32
    %scan3A_56 = arith.constant 64 : i32
    %scan3A_57 = arith.addi %scan3A_55, %scan3A_56 : i32
    %scan3A_58 = arith.constant 1 : i32
    scf.for %scan3A_60 = %scan3A_55 to %scan3A_57 step %scan3A_58  : i32 {
      %mul3A_61 = arith.constant 1 : i32
      %mul3A_62 = arith.muli %scan3A_60, %mul3A_61 : i32
      %add3A_63 = arith.constant 0 : i32
      %add3A_64 = arith.addi %add3A_63, %mul3A_62 : i32
      %mul3A_65 = arith.constant 64 : i32
      %mul3A_66 = arith.muli %select_n3A_30, %mul3A_65 : i32
      %add3A_67 = arith.addi %mul3A_66, %add3A_64 : i32
      "tpu.region"() ({
        %run_scoped3A = tpu.sem_alloc : memref<!tpu.dma_semaphore, #tpu.memory_space<semaphore_mem>>
        %dma_start3A = arith.constant 0 : i32
        %dma_start3A_73 = tpu.memref_slice %arg5[%select_n3A, %add3A_67, %dma_start3A] : memref<8x256x16384xf32, #tpu.memory_space<hbm>> -> memref<1x1x16384xf32, #tpu.memory_space<hbm>>
        %dma_start3A_74 = tpu.memref_squeeze %dma_start3A_73 : memref<1x1x16384xf32, #tpu.memory_space<hbm>> -> memref<16384xf32, #tpu.memory_space<hbm>>
        %dma_start3A_75 = arith.constant 0 : i32
        %dma_start3A_76 = tpu.memref_slice %arg5[%select_n3A, %add3A_67, %dma_start3A_75] : memref<8x256x16384xf32, #tpu.memory_space<hbm>> -> memref<1x1x16384xf32, #tpu.memory_space<hbm>>
        %dma_start3A_77 = tpu.memref_squeeze %dma_start3A_76 : memref<1x1x16384xf32, #tpu.memory_space<hbm>> -> memref<16384xf32, #tpu.memory_space<hbm>>
        tpu.enqueue_dma source(%dma_start3A_77 : memref<16384xf32, #tpu.memory_space<hbm>>) target(%arg16 : memref<16384xf32, #tpu.memory_space<vmem>>) target_semaphore(%run_scoped3A : memref<!tpu.dma_semaphore, #tpu.memory_space<semaphore_mem>>)
        %dma_wait3A = arith.constant 0 : i32
        %dma_wait3A_78 = tpu.memref_slice %arg5[%select_n3A, %add3A_67, %dma_wait3A] : memref<8x256x16384xf32, #tpu.memory_space<hbm>> -> memref<1x1x16384xf32, #tpu.memory_space<hbm>>
        %dma_wait3A_79 = tpu.memref_squeeze %dma_wait3A_78 : memref<1x1x16384xf32, #tpu.memory_space<hbm>> -> memref<16384xf32, #tpu.memory_space<hbm>>
        %dma_wait3A_80 = arith.constant 0 : i32
        %dma_wait3A_81 = tpu.memref_slice %arg5[%select_n3A, %add3A_67, %dma_wait3A_80] : memref<8x256x16384xf32, #tpu.memory_space<hbm>> -> memref<1x1x16384xf32, #tpu.memory_space<hbm>>
        %dma_wait3A_82 = tpu.memref_squeeze %dma_wait3A_81 : memref<1x1x16384xf32, #tpu.memory_space<hbm>> -> memref<16384xf32, #tpu.memory_space<hbm>>
        tpu.wait_dma2 semaphore(%run_scoped3A : memref<!tpu.dma_semaphore, #tpu.memory_space<semaphore_mem>>) src(%dma_wait3A_82 : memref<16384xf32, #tpu.memory_space<hbm>>) dst(%arg16 : memref<16384xf32, #tpu.memory_space<vmem>>)
        tpu.yield
      }) : () -> ()
      %scan3A_68 = arith.constant 0 : i32
      %scan3A_69 = arith.constant 128 : i32
      %scan3A_70 = arith.addi %scan3A_68, %scan3A_69 : i32
      %scan3A_71 = arith.constant 1 : i32
      scf.for %scan3A_73 = %scan3A_68 to %scan3A_70 step %scan3A_71  : i32 {
        %mul3A_74 = arith.constant 1 : i32
        %mul3A_75 = arith.muli %scan3A_73, %mul3A_74 : i32
        %add3A_76 = arith.constant 0 : i32
        %add3A_77 = arith.addi %add3A_76, %mul3A_75 : i32
        %mul3A_78 = arith.constant 16 : i32
        %mul3A_79 = arith.muli %add3A_77, %mul3A_78 : i32
        %get3A = arith.index_cast %mul3A_79 : i32 to index
        %get3A_80 = tpu.vector_load %arg15[%get3A] {strides = array<i32>} : memref<2048xi32, #tpu.memory_space<vmem>>, vector<16xi32>,
        %gather3A = tpu.vector_load_idx %arg16[%get3A_80] : memref<16384xf32, #tpu.memory_space<vmem>>[vector<16xi32>], vector<16xf32>,
        %mul3A_81 = arith.constant 16 : i32
        %mul3A_82 = arith.muli %add3A_77, %mul3A_81 : i32
        %swap3A = arith.index_cast %mul3A_82 : i32 to index
        %swap3A_83 = tpu.vector_load %arg17[%swap3A] {strides = array<i32>} : memref<2048xf32, #tpu.memory_space<vmem>>, vector<16xf32>,
        tpu.vector_store %arg17[%swap3A], %gather3A {strides = array<i32>} : memref<2048xf32, #tpu.memory_space<vmem>>, vector<16xf32>,
      }
      %scan3A_72 = arith.constant 128 : i32
      "tpu.region"() ({
        %run_scoped3A = tpu.sem_alloc : memref<!tpu.dma_semaphore, #tpu.memory_space<semaphore_mem>>
        %dma_start3A = arith.constant 0 : i32
        %dma_start3A_73 = tpu.memref_slice %arg12[%select_n3A, %add3A_67, %dma_start3A] : memref<8x256x2048xf32, #tpu.memory_space<hbm>> -> memref<1x1x2048xf32, #tpu.memory_space<hbm>>
        %dma_start3A_74 = tpu.memref_squeeze %dma_start3A_73 : memref<1x1x2048xf32, #tpu.memory_space<hbm>> -> memref<2048xf32, #tpu.memory_space<hbm>>
        %dma_start3A_75 = arith.constant 0 : i32
        %dma_start3A_76 = tpu.memref_slice %arg12[%select_n3A, %add3A_67, %dma_start3A_75] : memref<8x256x2048xf32, #tpu.memory_space<hbm>> -> memref<1x1x2048xf32, #tpu.memory_space<hbm>>
        %dma_start3A_77 = tpu.memref_squeeze %dma_start3A_76 : memref<1x1x2048xf32, #tpu.memory_space<hbm>> -> memref<2048xf32, #tpu.memory_space<hbm>>
        tpu.enqueue_dma source(%arg17 : memref<2048xf32, #tpu.memory_space<vmem>>) target(%dma_start3A_77 : memref<2048xf32, #tpu.memory_space<hbm>>) target_semaphore(%run_scoped3A : memref<!tpu.dma_semaphore, #tpu.memory_space<semaphore_mem>>)
        %dma_wait3A = arith.constant 0 : i32
        %dma_wait3A_78 = tpu.memref_slice %arg12[%select_n3A, %add3A_67, %dma_wait3A] : memref<8x256x2048xf32, #tpu.memory_space<hbm>> -> memref<1x1x2048xf32, #tpu.memory_space<hbm>>
        %dma_wait3A_79 = tpu.memref_squeeze %dma_wait3A_78 : memref<1x1x2048xf32, #tpu.memory_space<hbm>> -> memref<2048xf32, #tpu.memory_space<hbm>>
        %dma_wait3A_80 = arith.constant 0 : i32
        %dma_wait3A_81 = tpu.memref_slice %arg12[%select_n3A, %add3A_67, %dma_wait3A_80] : memref<8x256x2048xf32, #tpu.memory_space<hbm>> -> memref<1x1x2048xf32, #tpu.memory_space<hbm>>
        %dma_wait3A_82 = tpu.memref_squeeze %dma_wait3A_81 : memref<1x1x2048xf32, #tpu.memory_space<hbm>> -> memref<2048xf32, #tpu.memory_space<hbm>>
        tpu.wait_dma2 semaphore(%run_scoped3A : memref<!tpu.dma_semaphore, #tpu.memory_space<semaphore_mem>>) src(%arg17 : memref<2048xf32, #tpu.memory_space<vmem>>) dst(%dma_wait3A_82 : memref<2048xf32, #tpu.memory_space<hbm>>)
        tpu.yield
      }) : () -> ()
    }
    %scan3A_59 = arith.constant 64 : i32
    return
  }
}

</mosaic_0001>

<sc_bundles>
// kernel: kernel.3.cloned.1.call-start
scs
__scs_entry_jumppad:
0x0: {  	(pc) =	sbr.rel $0x88, $3  }
0x1: {  	(tag) =	ssettag $0x0;
	lr =	simm.s32 $0x1  }
0x2: {  	[smem:$0x3F9A] =	sst lr;
	_ =	strace $0xD0000000  }
0x3: {  	_ = 	snop  }
0x4: {  	_ = 	snop  }
0x5: {  	_ = 	snop  }
0x6: {  	_ = 	snop  }
0x7: {  	_ = 	snop  }
__scs_overlays_trampoline_lowered:
0x8: {  	[smem:$0x3FA9] =	sst s0  }
0x9: {  	[smem:$0x3FAA] =	sst s1  }
0xa: {  	[smem:$0x3FAB] =	sst s2  }
0xb: {  	[smem:$0x3FAC] =	sst s3  }
0xc: {  	[smem:$0x3FAD] =	sst s4  }
0xd: {  	[smem:$0x3FAE] =	sst s5  }
0xe: {  	[smem:$0x3FAF] =	sst s6  }
0xf: {  	[smem:$0x3FB0] =	sst s7  }
0x10: {  	[smem:$0x3FB1] =	sst s8  }
0x11: {  	[smem:$0x3FB2] =	sst s9;
	s0 =	simm.s32 @!p0 $0x0  }
0x12: {  	s1 =	sld [smem:$0x3F98];
	s0 =	simm.s32 @p0 $0x1  }
0x13: {  	[smem:$0x3FB3] =	sst s0;
	s0 =	simm.s32 @!p1 $0x0  }
0x14: {  	s2 =	sld [smem:$0x3F97];
	s0 =	simm.s32 @p1 $0x1  }
0x15: {  	[smem:$0x3FB4] =	sst s0;
	s0 =	simm.s32 @!p2 $0x0  }
0x16: {  	s3 =	sld [smem:$0x3FDB];
	s0 =	simm.s32 @p2 $0x1  }
0x17: {  	s4 =	simm.s32 $0x1BF5;
	[smem:$0x3FB6] =	sst s0  }
0x18: {  	s0 =	sld [smem:$0x3F99];
	_ =	swait.ge [sflag:s4], $0x0  }
0x19: {  	s7 =	sld [smem:$0x3F9A]  }
0x1a: {  	s8 =	sadd.s32 $0xFFFFE003, lr  }
0x1b: {  	s9 =	sadd.s32 $0xFFFFFEF7, lr;
	s5 =	simm.s32 $0xFFFFFFFF;
	p2 =	slt.u32 s8, $0xFFFFF086  }
0x1c: {  	p1 =	slt.u32 s9, $0xF7A;
	s5 =	simm.s32 @!p2 $0x0  }
0x1d: {  	s5 =	simm.s32 @p1 $0x1;
	p0 =	seq.s32 s7, s2  }
0x1e: {  	s7 =	smul.u32 @!p0 $0xF7A, s2;
	p2 =	seq.s32 @!p0 s5, $0x0  }
0x1f: {  	s9 =	smul.u32 $0xF7A, s1;
	s8 =	simm.s32 @!p0 $0x1BF5;
	p2 =	por !p2, p0  }
0x20: {  	[sflag:s8] =	ssyncset.s32 @!p0 $0xFFFFF086;
	s6 =	sadd.s32 @!p0 s3, s7;
	s7 =	simm.s32 @!p0 $0x108  }
0x21: {  	s3 =	sadd.s32 s3, s9;
	s6 =	sadd.s32 @!p0 $0x88, s6;
	s7 =	simm.s32 @p2 $0x1082  }
0x22: {  	[simem:s7], [sflag:s8] =	dma.local @!p0 [hbm:s6], $0xF7A  }
0x23: {  	s9 =	sor.u32 $0xD0000000, s2;
	s6 =	simm.s32 $0x108;
	_ =	swait.ge @!p0 [sflag:s8], $0x0  }
0x24: {  	s3 =	sadd.s32 $0x88, s3;
	s6 =	simm.s32 @!p1 $0x1082;
	[sflag:s4] =	ssyncset.s32 $0xFFFFF086  }
0x25: {  	[simem:s6], [sflag:s4] =	dma.local [hbm:s3], $0xF7A  }
0x26: {  	[smem:$0x3F9A] =	sst s1;
	(tag) =	ssettag s2;
	_ =	strace s9  }
0x27: {  	s1 =	sld [smem:$0x3FAA]  }
0x28: {  	s2 =	sld [smem:$0x3FAB]  }
0x29: {  	s4 =	sld [smem:$0x3FAD]  }
0x2a: {  	p0 =	seq.s32 s5, $0x0;
	s5 =	sld [smem:$0x3FAE]  }
0x2b: {  	s6 =	sld [smem:$0x3FAF]  }
0x2c: {  	s7 =	sld [smem:$0x3FB0]  }
0x2d: {  	s3 =	simm.s32 $0x108;
	s8 =	sld [smem:$0x3FB1]  }
0x2e: {  	s3 =	simm.s32 @!p0 $0x1082;
	s9 =	sld [smem:$0x3FB2]  }
0x2f: {  	lr =	sadd.s32 s0, s3;
	s0 =	sld [smem:$0x3FA9]  }
0x30: {  	s3 =	sld [smem:$0x3FAC]  }
0x31: {  	[smem:$0x3FB5] =	sst s10  }
0x32: {  	s10 =	sld [smem:$0x3FB3];
	_ =	sdelay $0x3  }
0x33: {  	p0 =	seq.s32 s10, $0x1;
	s10 =	sld [smem:$0x3FB5];
	_ =	sdelay $0x3  }
0x34: {  	[smem:$0x3FB5] =	sst s10  }
0x35: {  	s10 =	sld [smem:$0x3FB4];
	_ =	sdelay $0x3  }
0x36: {  	p1 =	seq.s32 s10, $0x1;
	s10 =	sld [smem:$0x3FB5];
	_ =	sdelay $0x3  }
0x37: {  	[smem:$0x3FB5] =	sst s10  }
0x38: {  	s10 =	sld [smem:$0x3FB6]  }
0x39: {  	_ = 	snop;
	(pc) =	sbr.ind lr, $3  }
0x3a: {  	_ = 	snop  }
0x3b: {  	_ = 	snop  }
0x3c: {  	p2 =	seq.s32 s10, $0x1;
	s10 =	sld [smem:$0x3FB5]  }
0x3d: {  	_ =	shalt  }
0x3e: {  	_ =	shalt  }
0x3f: {  	_ =	shalt  }
0x40: {  	_ =	shalt  }
0x41: {  	_ =	shalt  }
0x42: {  	_ =	shalt  }
0x43: {  	_ =	shalt  }
0x44: {  	_ =	shalt  }
0x45: {  	_ =	shalt  }
0x46: {  	_ =	shalt  }
0x47: {  	_ =	shalt  }
0x48: {  	_ =	shalt  }
0x49: {  	_ =	shalt  }
0x4a: {  	_ =	shalt  }
0x4b: {  	_ =	shalt  }
0x4c: {  	_ =	shalt  }
0x4d: {  	_ =	shalt  }
0x4e: {  	_ =	shalt  }
0x4f: {  	_ =	shalt  }
0x50: {  	_ =	shalt  }
0x51: {  	_ =	shalt  }
0x52: {  	_ =	shalt  }
0x53: {  	_ =	shalt  }
0x54: {  	_ =	shalt  }
0x55: {  	_ =	shalt  }
0x56: {  	_ =	shalt  }
0x57: {  	_ =	shalt  }
0x58: {  	_ =	shalt  }
0x59: {  	_ =	shalt  }
0x5a: {  	_ =	shalt  }
0x5b: {  	_ =	shalt  }
0x5c: {  	_ =	shalt  }
0x5d: {  	_ =	shalt  }
0x5e: {  	_ =	shalt  }
0x5f: {  	_ =	shalt  }
0x60: {  	_ =	shalt  }
0x61: {  	_ =	shalt  }
0x62: {  	_ =	shalt  }
0x63: {  	_ =	shalt  }
0x64: {  	_ =	shalt  }
0x65: {  	_ =	shalt  }
0x66: {  	_ =	shalt  }
0x67: {  	_ =	shalt  }
0x68: {  	_ =	shalt  }
0x69: {  	_ =	shalt  }
0x6a: {  	_ =	shalt  }
0x6b: {  	_ =	shalt  }
0x6c: {  	_ =	shalt  }
0x6d: {  	_ =	shalt  }
0x6e: {  	_ =	shalt  }
0x6f: {  	_ =	shalt  }
0x70: {  	_ =	shalt  }
0x71: {  	_ =	shalt  }
0x72: {  	_ =	shalt  }
0x73: {  	_ =	shalt  }
0x74: {  	_ =	shalt  }
0x75: {  	_ =	shalt  }
0x76: {  	_ =	shalt  }
0x77: {  	_ =	shalt  }
0x78: {  	_ =	shalt  }
0x79: {  	_ =	shalt  }
0x7a: {  	_ =	shalt  }
0x7b: {  	_ =	shalt  }
0x7c: {  	_ =	shalt  }
0x7d: {  	_ =	shalt  }
0x7e: {  	_ =	shalt  }
0x7f: {  	_ =	shalt  }
0x80: {  	_ =	shalt  }
0x81: {  	_ =	shalt  }
0x82: {  	_ =	shalt  }
0x83: {  	_ =	shalt  }
0x84: {  	_ =	shalt  }
0x85: {  	_ =	shalt  }
0x86: {  	_ =	shalt  }
0x87: {  	_ =	shalt  }
.Lfunc_end0:
.L_simem_size_0:
called_computation_lowered:
.L_overlay_start_0:
0x88: {  	s2 =	sld [smem:$0x3FD9]  }
0x89: {  	s3 =	sld [smem:$0x3FFE];
	_ =	sdelay $0x1  }
0x8a: {  	s1 =	srdreg.scid  }
0x8b: {  	s0 =	sand.u32 $0x1, s1  }
0x8c: {  	s28 =	sshll.u32 s0, $0xA;
	s2 =	sadd.s32 s3, s2  }
0x8d: {  	s2 =	sadd.s32 s2, s28  }
0x8e: {  	[smem:$0x3FC1] =	sst s2  }
0x8f: {  	_ = 	snop  }
0x90: {  	s2 =	sld [smem:$0x3FC9]  }
0x91: {  	s3 =	sld [smem:$0x3FC8]  }
0x92: {  	s4 =	sld [smem:$0x3FC7]  }
0x93: {  	s5 =	sld [smem:$0x3FC6]  }
0x94: {  	s6 =	sld [smem:$0x3FD0]  }
0x95: {  	s7 =	sld [smem:$0x3FC5]  }
0x96: {  	s8 =	sld [smem:$0x3FC4]  }
0x97: {  	s10 =	simm.s32 $0xA;
	s11 =	simm.s32 $0x10;
	s9 =	sld [smem:$0x3FC3]  }
0x98: {  	[smem:s11], [sflag:s10] =	dma.local [hbm:s6], $0x1  }
0x99: {  	_ =	swait.eq [sflag:s10], $0x1  }
0x9a: {  	s29 =	sld [smem:$0x10]  }
0x9b: {  	s30 =	sld [smem:$0x11]  }
0x9c: {  	s12 =	sld [smem:$0x12]  }
0x9d: {  	s13 =	sld [smem:$0x13];
	[sflag:s10] =	ssyncset.done $0x0  }
0x9e: {  	s14 =	sld [smem:$0x14];
	[sflag:s10] =	ssyncadd.s32 $0xFFFFFFFF  }
0x9f: {  	s31 =	sld [smem:$0x15];
	(tm) =	ssettm $0x1  }
0xa0: {  	s15 =	sld [smem:$0x3FFB];
	_ =	sdelay $0x3  }
0xa1: {  	_ =	strace s15  }
0xa2: {  	s15 =	sld [smem:$0x3FFC];
	_ =	sdelay $0x3  }
0xa3: {  	_ =	strace s15  }
0xa4: {  	s15 =	sld [smem:$0x3FFD];
	_ =	sdelay $0x3  }
0xa5: {  	_ =	strace s15  }
0xa6: {  	_ =	strace $0x8FFFFFFF  }
0xa7: {  	s20 =	sld [smem:$0x3FDB];
	_ =	sdelay $0x1  }
0xa8: {  	s16 =	simm.s32 $_scs_section_size  }
0xa9: {  	s17 =	simm.s32 $_size__tile_overlayer_lowered;
	s18 =	simm.s32 $_tile_overlayer_lowered  }
0xaa: {  	s23 =	simm.s32 $0x1BFF;
	s22 =	sshll.u32 s18, $0x1;
	s15 =	sadd.s32 s16, s20  }
0xab: {  	s19 =	simm.s32 $0x0;
	s21 =	sshll.u32 s17, $0x1;
	s17 =	sadd.s32 s22, s15  }
0xac: {  	[timem:s19], [sflag:s23] =	dma.local [hbm:s17], s21  }
0xad: {  	_ =	swait.ge [sflag:s23], s21  }
0xae: {  	s16 =	ssub.s32 $0x0, s21;
	[sflag:s23] =	ssyncset.done $0x0  }
0xaf: {  	[sflag:s23] =	ssyncadd.s32 s16;
	_ =	sdelay $0x1  }
0xb0: {  	s24 =	simm.s32 $0x1B8B  }
0xb1: {  	_ =	swait.ge [sflag:s24], $0x1  }
0xb2: {  	[sflag:s24] =	ssyncset.done $0x0  }
0xb3: {  	s25 =	simm.s32 $0x1B8E;
	[sflag:s24] =	ssyncadd.s32 $0xFFFFFFFF  }
0xb4: {  	s26 =	simm.s32 $execute0_lowered;
	[smem:$0x3FD2] =	sst s25  }
0xb5: {  	s16 =	sshll.u32 s26, $0x1;
	_ =	strace $0x80000046;
	[dreg:$0x1] =	wrdreg $0xFFFFFFFF  }
0xb6: {  	s28 =	simm.s32 $_size_execute0_lowered;
	s15 =	sadd.s32 s15, s16;
	[dreg:$0x0] =	wrdreg $0x0  }
0xb7: {  	s16 =	sshll.u32 s28, $0x1;
	[dreg:$0x2] =	wrdreg s15  }
0xb8: {  	[dreg:$0x3] =	wrdreg s16  }
0xb9: {  	[dreg:$0x4] =	wrdreg $0xC0  }
0xba: {  	_ =	task [dreg:s19], $0x5FFFF  }
0xbb: {  	[dreg:$0x1] =	wrdreg $0xFFFFFFFF  }
0xbc: {  	[dreg:$0x0] =	wrdreg $0x60  }
0xbd: {  	[dreg:$0x2] =	wrdreg s3  }
0xbe: {  	[dreg:$0x3] =	wrdreg s4  }
0xbf: {  	[dreg:$0x4] =	wrdreg s5  }
0xc0: {  	[dreg:$0x5] =	wrdreg s2  }
0xc1: {  	[dreg:$0x6] =	wrdreg s7  }
0xc2: {  	[dreg:$0x7] =	wrdreg s8  }
0xc3: {  	[dreg:$0x8] =	wrdreg s9  }
0xc4: {  	[dreg:$0x9] =	wrdreg s29  }
0xc5: {  	[dreg:$0xa] =	wrdreg s30  }
0xc6: {  	[dreg:$0xb] =	wrdreg s12  }
0xc7: {  	[dreg:$0xc] =	wrdreg s13  }
0xc8: {  	[dreg:$0xd] =	wrdreg s14  }
0xc9: {  	[dreg:$0xe] =	wrdreg s31  }
0xca: {  	[dreg:$0xf] =	wrdreg $0x9  }
0xcb: {  	_ =	task.clear_ibuf [dreg:s19], $0x10FFFF;
	_ =	strace $0x90000046  }
0xcc: {  	s29 =	simm.s32 $0x9;
	_ =	strace $0x80000048  }
0xcd: {  	_ =	swait.ge [sflag:s29], $0x1  }
0xce: {  	[sflag:s29] =	ssyncadd.s32 $0xFFFFFFFF  }
0xcf: {  	_ =	strace $0x90000048  }
0xd0: {  	_ =	sfence  }
0xd1: {  	s30 =	sld [smem:$0x0];
	_ =	sdelay $0x2  }
0xd2: {  	s31 =	sshll.u32 s1, $0xD;
	s1 =	sshrl.u32 s1, $0x2  }
0xd3: {  	s3 =	sand.u32 $0x4000, s31;
	s1 =	sadd.s32 s1, s30  }
0xd4: {  	s0 =	sor.u32 s3, s0;
	s1 =	sshll.u32 s1, $0x11  }
0xd5: {  	s0 =	sor.u32 s1, s0  }
0xd6: {  	s0 =	sadd.s32 $0x8F2B, s0  }
0xd7: {  	[sflag:s0] =	ssyncadd.remote.s32 $0x1  }
0xd8: {  	_ =	sfence.sel $0xFFFF  }
0xd9: {  	[dreg:$0x0] =	wrdreg $0xFFFFFFFF;
	(pc) =	sbr.abs _section_cstart, $3  }
0xda: {  	[dreg:$0x1] =	wrdreg $0xFFFFFFFF  }
0xdb: {  	_ =	task.clear_ibuf [dreg:s19], $0x2FFFF;
	_ =	strace $0x9FFFFFFF  }
0xdc: {  	(tm) =	ssettm $0x7FFFFFFF  }
0xdd: {  	_ =	shalt  }
tec
execute0_lowered:
.L_overlay_start_1:
0x0: {  	(tag) =	ssettag $0x1  }
0x1: {  	s0 =	rddreg [dreg:$0x0]  }
0x2: {  	s1 =	rddreg [dreg:$0x1]  }
0x3: {  	s2 =	rddreg [dreg:$0x2]  }
0x4: {  	s3 =	rddreg [dreg:$0x3]  }
0x5: {  	s5 =	rddreg [dreg:$0x4]  }
0x6: {  	s10 =	rddreg [dreg:$0x5]  }
0x7: {  	s12 =	rddreg [dreg:$0x6]  }
0x8: {  	s4 =	rddreg [dreg:$0x7]  }
0x9: {  	s6 =	rddreg [dreg:$0x8];
	s11 =	srdreg.scid  }
0xa: {  	s7 =	rddreg [dreg:$0x9];
	s15 =	sand.u32 $0x1, s11  }
0xb: {  	s8 =	rddreg [dreg:$0xa];
	s17 =	stileid.u32;
	s11 =	ssub.s32 $0x2, s15  }
0xc: {  	s19 =	sshll.u32 s17, $0x1;
	s17 =	sshrl.u32 s17, $0x1;
	s16 =	sshrl.u32 s11, $0x1  }
0xd: {  	s13 =	rddreg [dreg:$0xb];
	s16 =	ssub.s32 s11, s16;
	s11 =	sshll.u32 s17, $0x4  }
0xe: {  	s14 =	rddreg [dreg:$0xc];
	s9 =	simm.s32 $0x0;
	s10 =	sadd.s32 s11, s10  }
0xf: {  	[smem:$0x7FF] =	sst s9;
	s20 =	sadd.s32 $0x34000, s10  }
0x10: {  	_ =	strace $0x80000047;
	s21 =	sadd.s32 $0x38000, s10;
	[dreg:$0xe] =	wrdreg s20  }
0x11: {  	s22 =	sadd.s32 $0x3C000, s10;
	[dreg:$0xf] =	wrdreg s21  }
0x12: {  	s23 =	sadd.s32 $0x10000, s10;
	[dreg:$0x10] =	wrdreg s22  }
0x13: {  	s24 =	sadd.s32 $0x14000, s10;
	[dreg:$0x11] =	wrdreg s23  }
0x14: {  	s18 =	sand.u32 $0x2, s19;
	s25 =	sadd.s32 $0x18000, s10;
	[dreg:$0x12] =	wrdreg s24  }
0x15: {  	s19 =	sshll.u32 s17, $0x8;
	s26 =	sadd.s32 $0x1C000, s10;
	[dreg:$0x13] =	wrdreg s25  }
0x16: {  	s12 =	sadd.s32 s12, s19;
	s19 =	sadd.s32 $0x20000, s10;
	[dreg:$0x14] =	wrdreg s26  }
0x17: {  	s15 =	sor.u32 s15, s18;
	[dreg:$0x15] =	wrdreg s19;
	s20 =	sadd.s32 $0x24000, s10  }
0x18: {  	p0 =	seq.s32 s15, $0x2;
	s21 =	sadd.s32 $0x28000, s10;
	[dreg:$0x16] =	wrdreg s20  }
0x19: {  	p1 =	sne.s32 s15, $0x1;
	s22 =	sadd.s32 $0x2C000, s10;
	[dreg:$0x17] =	wrdreg s21  }
0x1a: {  	s31 =	sshll.u32 s15, $0x6;
	s10 =	sadd.s32 $0x30000, s10;
	[dreg:$0x18] =	wrdreg s22  }
0x1b: {  	s28 =	sadd.s32 s5, s11;
	s23 =	sadd.s32 $0x5800, s14;
	[dreg:$0x19] =	wrdreg s10  }
0x1c: {  	s25 =	sadd.s32 s14, s11;
	s24 =	sadd.s32 $0x1000, s13;
	[dreg:$0x1a] =	wrdreg s23  }
0x1d: {  	s29 =	sadd.s32 s13, s11;
	[dreg:$0x1b] =	wrdreg s24;
	s26 =	sadd.s32 $0x800, s25  }
0x1e: {  	s5 =	sshll.u32 s17, $0x16;
	s15 =	sadd.s32 $0x1000, s25;
	[dreg:$0x1c] =	wrdreg s26  }
0x1f: {  	s13 =	smax.u32 s16, $0x1;
	s16 =	sadd.s32 $0x1800, s25;
	[dreg:$0x1d] =	wrdreg s15  }
0x20: {  	s10 =	sshll.u32 s17, $0x13;
	s17 =	sadd.s32 $0x2000, s25;
	[dreg:$0x1e] =	wrdreg s16  }
0x21: {  	s18 =	sadd.s32 $0x2800, s25;
	[dreg:$0x1f] =	wrdreg s17  }
0x22: {  	s19 =	sadd.s32 $0x3000, s25;
	[smem:$0x7F6] =	sst s18  }
0x23: {  	s20 =	sadd.s32 $0x3800, s25;
	[smem:$0x7F7] =	sst s19  }
0x24: {  	s21 =	sadd.s32 $0x4000, s25;
	[smem:$0x7F8] =	sst s20  }
0x25: {  	s22 =	sadd.s32 $0x4800, s25;
	[smem:$0x7F9] =	sst s21  }
0x26: {  	s23 =	sadd.s32 $0x5000, s25;
	[smem:$0x7FA] =	sst s22  }
0x27: {  	s30 =	simm.s32 $0x80;
	s24 =	sadd.s32 $0x4000, s28;
	[smem:$0x7FB] =	sst s23  }
0x28: {  	s14 =	sadd.s32 $0x8000, s28;
	[smem:$0x7FC] =	sst s24;
	s26 =	sadd.s32 $0x800, s29  }
0x29: {  	s15 =	simm.s32 $0x1;
	s16 =	simm.s32 $0x400;
	s17 =	simm.s32 $0x800  }
0x2a: {  	s18 =	simm.s32 $0x4800;
	s19 =	simm.s32 $0x0;
	[smem:$0x7FD] =	sst s26  }
.LBB2_1:
.Ltmp0:
0x2b: {  	(pc) =	sbr.rel @p0 .LBB2_10-.Ltmp0, $4  }
0x2c: {  	[tilespmem:s9], [sflag:$0x1] =	stream.linear.gather [hbm4b:s12+s9], $0x800, $0x38;
	[tilespmem:$0x5000] =	vst v63  }
0x2d: {  	_ =	swait.ge [sflag:s15], $0x800  }
0x2e: {  	[sflag:s15] =	ssyncset.done $0x0  }
0x2f: {  	[sflag:s15] =	ssyncadd.s32 $0xFFFFF800  }
.Ltmp1:
0x30: {  	(pc) =	sbr.rel @p1 .LBB2_36-.Ltmp1, $1  }
0x31: {  	_ =	sdelay $0x3  }
0x32: {  	[tilespmem:s17], [sflag:$0x1] =	stream.strided.gather [hbm4b:s28+s30], $0x4000, s16, s30, $0x38;
	[tilespmem:$0x5000] =	vst v63  }
0x33: {  	_ =	swait.ge [sflag:s15], $0x4000  }
0x34: {  	[sflag:s15] =	ssyncset.done $0x0  }
0x35: {  	s20 =	simm.s32 $0x0;
	[sflag:s15] =	ssyncadd.s32 $0xFFFFC000  }
0x36: {  	v0 =	vld [tilespmem:s20+$0x0];
	_ =	sdelay $0x7  }
0x37: {  	s21 =	simm.s32 $0x10;
	s22 =	simm.s32 $0x80;
	v0 =	vld.idx.msk [tilespmem:v0+s17+$0x0], $0xffff  }
.LBB2_4:
0x38: {  	p2 =	sne.s32 s22, $0x1FC0;
	v1 =	vld [tilespmem:s21+$0x0];
	_ =	sdelay $0x3  }
.Ltmp2:
0x39: {  	(pc) =	sbr.rel @p2 .LBB2_4-.Ltmp2, $2  }
0x3a: {  	[tilespmem:s20+$0x4800] =	vst v0;
	s20 =	smov.u32 s21;
	_ =	sdelay $0x2  }
0x3b: {  	s21 =	sshra.s32 s22, $0x2;
	s22 =	sadd.s32 $0x40, s22;
	v0 =	vld.idx.msk [tilespmem:v1+s17+$0x0], $0xffff  }
0x3c: {  	v1 =	vld [tilespmem:s21+$0x0];
	_ =	sdelay $0x6  }
0x3d: {  	[tilespmem:s20+$0x4800] =	vst v0  }
0x3e: {  	v0 =	vld.idx.msk [tilespmem:v1+s17+$0x0], $0xffff;
	_ =	sdelay $0x4  }
0x3f: {  	[tilespmem:s21+$0x4800] =	vst v0  }
0x40: {  	[hbm4b:s29+s30] =	stream.strided.scatter [tilespmem:s18], [sflag:$0x1], $0x800, s16, s30, $0x38;
	[tilespmem:$0x5000] =	vst v63  }
0x41: {  	_ =	swait.ge [sflag:s15], $0x800  }
0x42: {  	s26 =	sld [smem:$0x7FC]  }
0x43: {  	[sflag:s15] =	ssyncset.done $0x0  }
0x44: {  	[sflag:s15] =	ssyncadd.s32 $0xFFFFF800  }
0x45: {  	[tilespmem:s17], [sflag:$0x1] =	stream.strided.gather [hbm4b:s26+s30], $0x4000, s16, s30, $0x38;
	[tilespmem:$0x5000] =	vst v63  }
0x46: {  	_ =	swait.ge [sflag:s15], $0x4000  }
0x47: {  	[sflag:s15] =	ssyncset.done $0x0  }
0x48: {  	s20 =	simm.s32 $0x0;
	[sflag:s15] =	ssyncadd.s32 $0xFFFFC000  }
0x49: {  	v0 =	vld [tilespmem:s20+$0x0];
	_ =	sdelay $0x7  }
0x4a: {  	s22 =	simm.s32 $0x80;
	s21 =	simm.s32 $0x10;
	v0 =	vld.idx.msk [tilespmem:v0+s17+$0x0], $0xffff  }
.LBB2_6:
0x4b: {  	p2 =	sne.s32 s22, $0x1FC0;
	v1 =	vld [tilespmem:s21+$0x0];
	_ =	sdelay $0x3  }
.Ltmp3:
0x4c: {  	(pc) =	sbr.rel @p2 .LBB2_6-.Ltmp3, $2  }
0x4d: {  	[tilespmem:s20+$0x4800] =	vst v0;
	s20 =	smov.u32 s21;
	_ =	sdelay $0x2  }
0x4e: {  	s21 =	sshra.s32 s22, $0x2;
	s22 =	sadd.s32 $0x40, s22;
	v0 =	vld.idx.msk [tilespmem:v1+s17+$0x0], $0xffff  }
0x4f: {  	v1 =	vld [tilespmem:s21+$0x0];
	_ =	sdelay $0x6  }
0x50: {  	[tilespmem:s20+$0x4800] =	vst v0  }
0x51: {  	v0 =	vld.idx.msk [tilespmem:v1+s17+$0x0], $0xffff;
	_ =	sdelay $0x2  }
0x52: {  	s26 =	sld [smem:$0x7FD];
	_ =	sdelay $0x1  }
0x53: {  	[tilespmem:s21+$0x4800] =	vst v0  }
0x54: {  	[hbm4b:s26+s30] =	stream.strided.scatter [tilespmem:s18], [sflag:$0x1], $0x800, s16, s30, $0x38;
	[tilespmem:$0x5000] =	vst v63  }
0x55: {  	_ =	swait.ge [sflag:s15], $0x800  }
0x56: {  	[sflag:s15] =	ssyncset.done $0x0  }
0x57: {  	[sflag:s15] =	ssyncadd.s32 $0xFFFFF800  }
0x58: {  	[tilespmem:s17], [sflag:$0x1] =	stream.strided.gather [hbm4b:s14+s30], $0x4000, s16, s30, $0x38;
	[tilespmem:$0x5000] =	vst v63  }
0x59: {  	_ =	swait.ge [sflag:s15], $0x4000  }
0x5a: {  	[sflag:s15] =	ssyncset.done $0x0  }
0x5b: {  	s20 =	simm.s32 $0x0;
	[sflag:s15] =	ssyncadd.s32 $0xFFFFC000  }
0x5c: {  	v0 =	vld [tilespmem:s20+$0x0];
	_ =	sdelay $0x7  }
0x5d: {  	s22 =	simm.s32 $0x80;
	s21 =	simm.s32 $0x10;
	v0 =	vld.idx.msk [tilespmem:v0+s17+$0x0], $0xffff  }
.LBB2_8:
0x5e: {  	p2 =	seq.s32 s22, $0x1FC0;
	v1 =	vld [tilespmem:s21+$0x0];
	_ =	sdelay $0x3  }
.Ltmp4:
0x5f: {  	(pc) =	sbr.rel @!p2 .LBB2_8-.Ltmp4, $2  }
0x60: {  	[tilespmem:s20+$0x4800] =	vst v0;
	s20 =	smov.u32 s21;
	_ =	sdelay $0x2  }
0x61: {  	s21 =	sshra.s32 s22, $0x2;
	s22 =	sadd.s32 $0x40, s22;
	v0 =	vld.idx.msk [tilespmem:v1+s17+$0x0], $0xffff  }
0x62: {  	v1 =	vld [tilespmem:s21+$0x0];
	_ =	sdelay $0x6  }
0x63: {  	[tilespmem:s20+$0x4800] =	vst v0  }
0x64: {  	v0 =	vld.idx.msk [tilespmem:v1+s17+$0x0], $0xffff  }
.Ltmp5:
0x65: {  	_ = 	snop;
	(pc) =	sbr.rel .LBB2_35-.Ltmp5, $2  }
0x66: {  	_ =	sdelay $0x2  }
0x67: {  	s20 =	rddreg [dreg:$0x1b];
	[tilespmem:s21+$0x4800] =	vst v0  }
.LBB2_10:
0x68: {  	s20 =	rddreg [dreg:$0xe]  }
0x69: {  	[tilespmem:s17], [sflag:$0x1] =	stream.strided.gather [hbm4b:s20+s30], $0x4000, s16, s30, $0x38;
	[tilespmem:$0x5000] =	vst v63  }
0x6a: {  	_ =	swait.ge [sflag:s15], $0x4000  }
0x6b: {  	[sflag:s15] =	ssyncset.done $0x0  }
0x6c: {  	s20 =	simm.s32 $0x0;
	[sflag:s15] =	ssyncadd.s32 $0xFFFFC000  }
0x6d: {  	v0 =	vld [tilespmem:s20+$0x0];
	_ =	sdelay $0x7  }
0x6e: {  	s21 =	simm.s32 $0x10;
	s22 =	simm.s32 $0x80;
	v0 =	vld.idx.msk [tilespmem:v0+s17+$0x0], $0xffff  }
.LBB2_11:
0x6f: {  	p2 =	sne.s32 s22, $0x1FC0;
	v1 =	vld [tilespmem:s21+$0x0];
	_ =	sdelay $0x3  }
.Ltmp6:
0x70: {  	(pc) =	sbr.rel @p2 .LBB2_11-.Ltmp6, $2  }
0x71: {  	[tilespmem:s20+$0x4800] =	vst v0;
	s20 =	smov.u32 s21;
	_ =	sdelay $0x2  }
0x72: {  	s21 =	sshra.s32 s22, $0x2;
	s22 =	sadd.s32 $0x40, s22;
	v0 =	vld.idx.msk [tilespmem:v1+s17+$0x0], $0xffff  }
0x73: {  	v1 =	vld [tilespmem:s21+$0x0];
	_ =	sdelay $0x6  }
0x74: {  	[tilespmem:s20+$0x4800] =	vst v0  }
0x75: {  	v0 =	vld.idx.msk [tilespmem:v1+s17+$0x0], $0xffff;
	_ =	sdelay $0x4  }
0x76: {  	[tilespmem:s21+$0x4800] =	vst v0  }
0x77: {  	[hbm4b:s25+s30] =	stream.strided.scatter [tilespmem:s18], [sflag:$0x1], $0x800, s16, s30, $0x38;
	[tilespmem:$0x5000] =	vst v63  }
0x78: {  	_ =	swait.ge [sflag:s15], $0x800  }
0x79: {  	[sflag:s15] =	ssyncset.done $0x0  }
0x7a: {  	s26 =	rddreg [dreg:$0xf];
	[sflag:s15] =	ssyncadd.s32 $0xFFFFF800  }
0x7b: {  	[tilespmem:s17], [sflag:$0x1] =	stream.strided.gather [hbm4b:s26+s30], $0x4000, s16, s30, $0x38;
	[tilespmem:$0x5000] =	vst v63  }
0x7c: {  	_ =	swait.ge [sflag:s15], $0x4000  }
0x7d: {  	[sflag:s15] =	ssyncset.done $0x0  }
0x7e: {  	s20 =	simm.s32 $0x0;
	[sflag:s15] =	ssyncadd.s32 $0xFFFFC000  }
0x7f: {  	v0 =	vld [tilespmem:s20+$0x0];
	_ =	sdelay $0x7  }
0x80: {  	s22 =	simm.s32 $0x80;
	s21 =	simm.s32 $0x10;
	v0 =	vld.idx.msk [tilespmem:v0+s17+$0x0], $0xffff  }
.LBB2_13:
0x81: {  	p2 =	sne.s32 s22, $0x1FC0;
	v1 =	vld [tilespmem:s21+$0x0];
	_ =	sdelay $0x3  }
.Ltmp7:
0x82: {  	(pc) =	sbr.rel @p2 .LBB2_13-.Ltmp7, $2  }
0x83: {  	[tilespmem:s20+$0x4800] =	vst v0;
	s20 =	smov.u32 s21;
	_ =	sdelay $0x2  }
0x84: {  	s21 =	sshra.s32 s22, $0x2;
	s22 =	sadd.s32 $0x40, s22;
	v0 =	vld.idx.msk [tilespmem:v1+s17+$0x0], $0xffff  }
0x85: {  	v1 =	vld [tilespmem:s21+$0x0];
	_ =	sdelay $0x6  }
0x86: {  	[tilespmem:s20+$0x4800] =	vst v0  }
0x87: {  	v0 =	vld.idx.msk [tilespmem:v1+s17+$0x0], $0xffff;
	_ =	sdelay $0x4  }
0x88: {  	s24 =	rddreg [dreg:$0x1c];
	[tilespmem:s21+$0x4800] =	vst v0  }
0x89: {  	[hbm4b:s24+s30] =	stream.strided.scatter [tilespmem:s18], [sflag:$0x1], $0x800, s16, s30, $0x38;
	[tilespmem:$0x5000] =	vst v63  }
0x8a: {  	_ =	swait.ge [sflag:s15], $0x800  }
0x8b: {  	[sflag:s15] =	ssyncset.done $0x0  }
0x8c: {  	s26 =	rddreg [dreg:$0x10];
	[sflag:s15] =	ssyncadd.s32 $0xFFFFF800  }
0x8d: {  	[tilespmem:s17], [sflag:$0x1] =	stream.strided.gather [hbm4b:s26+s30], $0x4000, s16, s30, $0x38;
	[tilespmem:$0x5000] =	vst v63  }
0x8e: {  	_ =	swait.ge [sflag:s15], $0x4000  }
0x8f: {  	[sflag:s15] =	ssyncset.done $0x0  }
0x90: {  	s20 =	simm.s32 $0x0;
	[sflag:s15] =	ssyncadd.s32 $0xFFFFC000  }
0x91: {  	v0 =	vld [tilespmem:s20+$0x0];
	_ =	sdelay $0x7  }
0x92: {  	s22 =	simm.s32 $0x80;
	s21 =	simm.s32 $0x10;
	v0 =	vld.idx.msk [tilespmem:v0+s17+$0x0], $0xffff  }
.LBB2_15:
0x93: {  	p2 =	sne.s32 s22, $0x1FC0;
	v1 =	vld [tilespmem:s21+$0x0];
	_ =	sdelay $0x3  }
.Ltmp8:
0x94: {  	(pc) =	sbr.rel @p2 .LBB2_15-.Ltmp8, $2  }
0x95: {  	[tilespmem:s20+$0x4800] =	vst v0;
	s20 =	smov.u32 s21;
	_ =	sdelay $0x2  }
0x96: {  	s21 =	sshra.s32 s22, $0x2;
	s22 =	sadd.s32 $0x40, s22;
	v0 =	vld.idx.msk [tilespmem:v1+s17+$0x0], $0xffff  }
0x97: {  	v1 =	vld [tilespmem:s21+$0x0];
	_ =	sdelay $0x6  }
0x98: {  	[tilespmem:s20+$0x4800] =	vst v0  }
0x99: {  	v0 =	vld.idx.msk [tilespmem:v1+s17+$0x0], $0xffff;
	_ =	sdelay $0x4  }
0x9a: {  	s24 =	rddreg [dreg:$0x1d];
	[tilespmem:s21+$0x4800] =	vst v0  }
0x9b: {  	[hbm4b:s24+s30] =	stream.strided.scatter [tilespmem:s18], [sflag:$0x1], $0x800, s16, s30, $0x38;
	[tilespmem:$0x5000] =	vst v63  }
0x9c: {  	_ =	swait.ge [sflag:s15], $0x800  }
0x9d: {  	[sflag:s15] =	ssyncset.done $0x0  }
0x9e: {  	s26 =	rddreg [dreg:$0x11];
	[sflag:s15] =	ssyncadd.s32 $0xFFFFF800  }
0x9f: {  	[tilespmem:s17], [sflag:$0x1] =	stream.strided.gather [hbm4b:s26+s30], $0x4000, s16, s30, $0x38;
	[tilespmem:$0x5000] =	vst v63  }
0xa0: {  	_ =	swait.ge [sflag:s15], $0x4000  }
0xa1: {  	[sflag:s15] =	ssyncset.done $0x0  }
0xa2: {  	s20 =	simm.s32 $0x0;
	[sflag:s15] =	ssyncadd.s32 $0xFFFFC000  }
0xa3: {  	v0 =	vld [tilespmem:s20+$0x0];
	_ =	sdelay $0x7  }
0xa4: {  	s22 =	simm.s32 $0x80;
	s21 =	simm.s32 $0x10;
	v0 =	vld.idx.msk [tilespmem:v0+s17+$0x0], $0xffff  }
.LBB2_17:
0xa5: {  	p2 =	sne.s32 s22, $0x1FC0;
	v1 =	vld [tilespmem:s21+$0x0];
	_ =	sdelay $0x3  }
.Ltmp9:
0xa6: {  	(pc) =	sbr.rel @p2 .LBB2_17-.Ltmp9, $2  }
0xa7: {  	[tilespmem:s20+$0x4800] =	vst v0;
	s20 =	smov.u32 s21;
	_ =	sdelay $0x2  }
0xa8: {  	s21 =	sshra.s32 s22, $0x2;
	s22 =	sadd.s32 $0x40, s22;
	v0 =	vld.idx.msk [tilespmem:v1+s17+$0x0], $0xffff  }
0xa9: {  	v1 =	vld [tilespmem:s21+$0x0];
	_ =	sdelay $0x6  }
0xaa: {  	[tilespmem:s20+$0x4800] =	vst v0  }
0xab: {  	v0 =	vld.idx.msk [tilespmem:v1+s17+$0x0], $0xffff;
	_ =	sdelay $0x4  }
0xac: {  	s24 =	rddreg [dreg:$0x1e];
	[tilespmem:s21+$0x4800] =	vst v0  }
0xad: {  	[hbm4b:s24+s30] =	stream.strided.scatter [tilespmem:s18], [sflag:$0x1], $0x800, s16, s30, $0x38;
	[tilespmem:$0x5000] =	vst v63  }
0xae: {  	_ =	swait.ge [sflag:s15], $0x800  }
0xaf: {  	[sflag:s15] =	ssyncset.done $0x0  }
0xb0: {  	s26 =	rddreg [dreg:$0x12];
	[sflag:s15] =	ssyncadd.s32 $0xFFFFF800  }
0xb1: {  	[tilespmem:s17], [sflag:$0x1] =	stream.strided.gather [hbm4b:s26+s30], $0x4000, s16, s30, $0x38;
	[tilespmem:$0x5000] =	vst v63  }
0xb2: {  	_ =	swait.ge [sflag:s15], $0x4000  }
0xb3: {  	[sflag:s15] =	ssyncset.done $0x0  }
0xb4: {  	s20 =	simm.s32 $0x0;
	[sflag:s15] =	ssyncadd.s32 $0xFFFFC000  }
0xb5: {  	v0 =	vld [tilespmem:s20+$0x0];
	_ =	sdelay $0x7  }
0xb6: {  	s22 =	simm.s32 $0x80;
	s21 =	simm.s32 $0x10;
	v0 =	vld.idx.msk [tilespmem:v0+s17+$0x0], $0xffff  }
.LBB2_19:
0xb7: {  	p2 =	sne.s32 s22, $0x1FC0;
	v1 =	vld [tilespmem:s21+$0x0];
	_ =	sdelay $0x3  }
.Ltmp10:
0xb8: {  	(pc) =	sbr.rel @p2 .LBB2_19-.Ltmp10, $2  }
0xb9: {  	[tilespmem:s20+$0x4800] =	vst v0;
	s20 =	smov.u32 s21;
	_ =	sdelay $0x2  }
0xba: {  	s21 =	sshra.s32 s22, $0x2;
	s22 =	sadd.s32 $0x40, s22;
	v0 =	vld.idx.msk [tilespmem:v1+s17+$0x0], $0xffff  }
0xbb: {  	v1 =	vld [tilespmem:s21+$0x0];
	_ =	sdelay $0x6  }
0xbc: {  	[tilespmem:s20+$0x4800] =	vst v0  }
0xbd: {  	v0 =	vld.idx.msk [tilespmem:v1+s17+$0x0], $0xffff;
	_ =	sdelay $0x4  }
0xbe: {  	s24 =	rddreg [dreg:$0x1f];
	[tilespmem:s21+$0x4800] =	vst v0  }
0xbf: {  	[hbm4b:s24+s30] =	stream.strided.scatter [tilespmem:s18], [sflag:$0x1], $0x800, s16, s30, $0x38;
	[tilespmem:$0x5000] =	vst v63  }
0xc0: {  	_ =	swait.ge [sflag:s15], $0x800  }
0xc1: {  	[sflag:s15] =	ssyncset.done $0x0  }
0xc2: {  	s26 =	rddreg [dreg:$0x13];
	[sflag:s15] =	ssyncadd.s32 $0xFFFFF800  }
0xc3: {  	[tilespmem:s17], [sflag:$0x1] =	stream.strided.gather [hbm4b:s26+s30], $0x4000, s16, s30, $0x38;
	[tilespmem:$0x5000] =	vst v63  }
0xc4: {  	_ =	swait.ge [sflag:s15], $0x4000  }
0xc5: {  	[sflag:s15] =	ssyncset.done $0x0  }
0xc6: {  	s20 =	simm.s32 $0x0;
	[sflag:s15] =	ssyncadd.s32 $0xFFFFC000  }
0xc7: {  	v0 =	vld [tilespmem:s20+$0x0];
	_ =	sdelay $0x7  }
0xc8: {  	s22 =	simm.s32 $0x80;
	s21 =	simm.s32 $0x10;
	v0 =	vld.idx.msk [tilespmem:v0+s17+$0x0], $0xffff  }
.LBB2_21:
0xc9: {  	p2 =	sne.s32 s22, $0x1FC0;
	v1 =	vld [tilespmem:s21+$0x0];
	_ =	sdelay $0x3  }
.Ltmp11:
0xca: {  	(pc) =	sbr.rel @p2 .LBB2_21-.Ltmp11, $2  }
0xcb: {  	[tilespmem:s20+$0x4800] =	vst v0;
	s20 =	smov.u32 s21;
	_ =	sdelay $0x2  }
0xcc: {  	s21 =	sshra.s32 s22, $0x2;
	s22 =	sadd.s32 $0x40, s22;
	v0 =	vld.idx.msk [tilespmem:v1+s17+$0x0], $0xffff  }
0xcd: {  	v1 =	vld [tilespmem:s21+$0x0];
	_ =	sdelay $0x6  }
0xce: {  	[tilespmem:s20+$0x4800] =	vst v0  }
0xcf: {  	v0 =	vld.idx.msk [tilespmem:v1+s17+$0x0], $0xffff;
	_ =	sdelay $0x2  }
0xd0: {  	s24 =	sld [smem:$0x7F6];
	_ =	sdelay $0x1  }
0xd1: {  	[tilespmem:s21+$0x4800] =	vst v0  }
0xd2: {  	[hbm4b:s24+s30] =	stream.strided.scatter [tilespmem:s18], [sflag:$0x1], $0x800, s16, s30, $0x38;
	[tilespmem:$0x5000] =	vst v63  }
0xd3: {  	_ =	swait.ge [sflag:s15], $0x800  }
0xd4: {  	[sflag:s15] =	ssyncset.done $0x0  }
0xd5: {  	s26 =	rddreg [dreg:$0x14];
	[sflag:s15] =	ssyncadd.s32 $0xFFFFF800  }
0xd6: {  	[tilespmem:s17], [sflag:$0x1] =	stream.strided.gather [hbm4b:s26+s30], $0x4000, s16, s30, $0x38;
	[tilespmem:$0x5000] =	vst v63  }
0xd7: {  	_ =	swait.ge [sflag:s15], $0x4000  }
0xd8: {  	[sflag:s15] =	ssyncset.done $0x0  }
0xd9: {  	s20 =	simm.s32 $0x0;
	[sflag:s15] =	ssyncadd.s32 $0xFFFFC000  }
0xda: {  	v0 =	vld [tilespmem:s20+$0x0];
	_ =	sdelay $0x7  }
0xdb: {  	s22 =	simm.s32 $0x80;
	s21 =	simm.s32 $0x10;
	v0 =	vld.idx.msk [tilespmem:v0+s17+$0x0], $0xffff  }
.LBB2_23:
0xdc: {  	p2 =	sne.s32 s22, $0x1FC0;
	v1 =	vld [tilespmem:s21+$0x0];
	_ =	sdelay $0x3  }
.Ltmp12:
0xdd: {  	(pc) =	sbr.rel @p2 .LBB2_23-.Ltmp12, $2  }
0xde: {  	[tilespmem:s20+$0x4800] =	vst v0;
	s20 =	smov.u32 s21;
	_ =	sdelay $0x2  }
0xdf: {  	s21 =	sshra.s32 s22, $0x2;
	s22 =	sadd.s32 $0x40, s22;
	v0 =	vld.idx.msk [tilespmem:v1+s17+$0x0], $0xffff  }
0xe0: {  	v1 =	vld [tilespmem:s21+$0x0];
	_ =	sdelay $0x6  }
0xe1: {  	[tilespmem:s20+$0x4800] =	vst v0  }
0xe2: {  	v0 =	vld.idx.msk [tilespmem:v1+s17+$0x0], $0xffff;
	_ =	sdelay $0x2  }
0xe3: {  	s24 =	sld [smem:$0x7F7];
	_ =	sdelay $0x1  }
0xe4: {  	[tilespmem:s21+$0x4800] =	vst v0  }
0xe5: {  	[hbm4b:s24+s30] =	stream.strided.scatter [tilespmem:s18], [sflag:$0x1], $0x800, s16, s30, $0x38;
	[tilespmem:$0x5000] =	vst v63  }
0xe6: {  	_ =	swait.ge [sflag:s15], $0x800  }
0xe7: {  	[sflag:s15] =	ssyncset.done $0x0  }
0xe8: {  	s26 =	rddreg [dreg:$0x15];
	[sflag:s15] =	ssyncadd.s32 $0xFFFFF800  }
0xe9: {  	[tilespmem:s17], [sflag:$0x1] =	stream.strided.gather [hbm4b:s26+s30], $0x4000, s16, s30, $0x38;
	[tilespmem:$0x5000] =	vst v63  }
0xea: {  	_ =	swait.ge [sflag:s15], $0x4000  }
0xeb: {  	[sflag:s15] =	ssyncset.done $0x0  }
0xec: {  	s20 =	simm.s32 $0x0;
	[sflag:s15] =	ssyncadd.s32 $0xFFFFC000  }
0xed: {  	v0 =	vld [tilespmem:s20+$0x0];
	_ =	sdelay $0x7  }
0xee: {  	s22 =	simm.s32 $0x80;
	s21 =	simm.s32 $0x10;
	v0 =	vld.idx.msk [tilespmem:v0+s17+$0x0], $0xffff  }
.LBB2_25:
0xef: {  	p2 =	sne.s32 s22, $0x1FC0;
	v1 =	vld [tilespmem:s21+$0x0];
	_ =	sdelay $0x3  }
.Ltmp13:
0xf0: {  	(pc) =	sbr.rel @p2 .LBB2_25-.Ltmp13, $2  }
0xf1: {  	[tilespmem:s20+$0x4800] =	vst v0;
	s20 =	smov.u32 s21;
	_ =	sdelay $0x2  }
0xf2: {  	s21 =	sshra.s32 s22, $0x2;
	s22 =	sadd.s32 $0x40, s22;
	v0 =	vld.idx.msk [tilespmem:v1+s17+$0x0], $0xffff  }
0xf3: {  	v1 =	vld [tilespmem:s21+$0x0];
	_ =	sdelay $0x6  }
0xf4: {  	[tilespmem:s20+$0x4800] =	vst v0  }
0xf5: {  	v0 =	vld.idx.msk [tilespmem:v1+s17+$0x0], $0xffff;
	_ =	sdelay $0x2  }
0xf6: {  	s24 =	sld [smem:$0x7F8];
	_ =	sdelay $0x1  }
0xf7: {  	[tilespmem:s21+$0x4800] =	vst v0  }
0xf8: {  	[hbm4b:s24+s30] =	stream.strided.scatter [tilespmem:s18], [sflag:$0x1], $0x800, s16, s30, $0x38;
	[tilespmem:$0x5000] =	vst v63  }
0xf9: {  	_ =	swait.ge [sflag:s15], $0x800  }
0xfa: {  	[sflag:s15] =	ssyncset.done $0x0  }
0xfb: {  	s26 =	rddreg [dreg:$0x16];
	[sflag:s15] =	ssyncadd.s32 $0xFFFFF800  }
0xfc: {  	[tilespmem:s17], [sflag:$0x1] =	stream.strided.gather [hbm4b:s26+s30], $0x4000, s16, s30, $0x38;
	[tilespmem:$0x5000] =	vst v63  }
0xfd: {  	_ =	swait.ge [sflag:s15], $0x4000  }
0xfe: {  	[sflag:s15] =	ssyncset.done $0x0  }
0xff: {  	s20 =	simm.s32 $0x0;
	[sflag:s15] =	ssyncadd.s32 $0xFFFFC000  }
0x100: {  	v0 =	vld [tilespmem:s20+$0x0];
	_ =	sdelay $0x7  }
0x101: {  	s22 =	simm.s32 $0x80;
	s21 =	simm.s32 $0x10;
	v0 =	vld.idx.msk [tilespmem:v0+s17+$0x0], $0xffff  }
.LBB2_27:
0x102: {  	p2 =	sne.s32 s22, $0x1FC0;
	v1 =	vld [tilespmem:s21+$0x0];
	_ =	sdelay $0x3  }
.Ltmp14:
0x103: {  	(pc) =	sbr.rel @p2 .LBB2_27-.Ltmp14, $2  }
0x104: {  	[tilespmem:s20+$0x4800] =	vst v0;
	s20 =	smov.u32 s21;
	_ =	sdelay $0x2  }
0x105: {  	s21 =	sshra.s32 s22, $0x2;
	s22 =	sadd.s32 $0x40, s22;
	v0 =	vld.idx.msk [tilespmem:v1+s17+$0x0], $0xffff  }
0x106: {  	v1 =	vld [tilespmem:s21+$0x0];
	_ =	sdelay $0x6  }
0x107: {  	[tilespmem:s20+$0x4800] =	vst v0  }
0x108: {  	v0 =	vld.idx.msk [tilespmem:v1+s17+$0x0], $0xffff;
	_ =	sdelay $0x2  }
0x109: {  	s24 =	sld [smem:$0x7F9];
	_ =	sdelay $0x1  }
0x10a: {  	[tilespmem:s21+$0x4800] =	vst v0  }
0x10b: {  	[hbm4b:s24+s30] =	stream.strided.scatter [tilespmem:s18], [sflag:$0x1], $0x800, s16, s30, $0x38;
	[tilespmem:$0x5000] =	vst v63  }
0x10c: {  	_ =	swait.ge [sflag:s15], $0x800  }
0x10d: {  	[sflag:s15] =	ssyncset.done $0x0  }
0x10e: {  	s26 =	rddreg [dreg:$0x17];
	[sflag:s15] =	ssyncadd.s32 $0xFFFFF800  }
0x10f: {  	[tilespmem:s17], [sflag:$0x1] =	stream.strided.gather [hbm4b:s26+s30], $0x4000, s16, s30, $0x38;
	[tilespmem:$0x5000] =	vst v63  }
0x110: {  	_ =	swait.ge [sflag:s15], $0x4000  }
0x111: {  	[sflag:s15] =	ssyncset.done $0x0  }
0x112: {  	s20 =	simm.s32 $0x0;
	[sflag:s15] =	ssyncadd.s32 $0xFFFFC000  }
0x113: {  	v0 =	vld [tilespmem:s20+$0x0];
	_ =	sdelay $0x7  }
0x114: {  	s22 =	simm.s32 $0x80;
	s21 =	simm.s32 $0x10;
	v0 =	vld.idx.msk [tilespmem:v0+s17+$0x0], $0xffff  }
.LBB2_29:
0x115: {  	p2 =	sne.s32 s22, $0x1FC0;
	v1 =	vld [tilespmem:s21+$0x0];
	_ =	sdelay $0x3  }
.Ltmp15:
0x116: {  	(pc) =	sbr.rel @p2 .LBB2_29-.Ltmp15, $2  }
0x117: {  	[tilespmem:s20+$0x4800] =	vst v0;
	s20 =	smov.u32 s21;
	_ =	sdelay $0x2  }
0x118: {  	s21 =	sshra.s32 s22, $0x2;
	s22 =	sadd.s32 $0x40, s22;
	v0 =	vld.idx.msk [tilespmem:v1+s17+$0x0], $0xffff  }
0x119: {  	v1 =	vld [tilespmem:s21+$0x0];
	_ =	sdelay $0x6  }
0x11a: {  	[tilespmem:s20+$0x4800] =	vst v0  }
0x11b: {  	v0 =	vld.idx.msk [tilespmem:v1+s17+$0x0], $0xffff;
	_ =	sdelay $0x2  }
0x11c: {  	s24 =	sld [smem:$0x7FA];
	_ =	sdelay $0x1  }
0x11d: {  	[tilespmem:s21+$0x4800] =	vst v0  }
0x11e: {  	[hbm4b:s24+s30] =	stream.strided.scatter [tilespmem:s18], [sflag:$0x1], $0x800, s16, s30, $0x38;
	[tilespmem:$0x5000] =	vst v63  }
0x11f: {  	_ =	swait.ge [sflag:s15], $0x800  }
0x120: {  	[sflag:s15] =	ssyncset.done $0x0  }
0x121: {  	s26 =	rddreg [dreg:$0x18];
	[sflag:s15] =	ssyncadd.s32 $0xFFFFF800  }
0x122: {  	[tilespmem:s17], [sflag:$0x1] =	stream.strided.gather [hbm4b:s26+s30], $0x4000, s16, s30, $0x38;
	[tilespmem:$0x5000] =	vst v63  }
0x123: {  	_ =	swait.ge [sflag:s15], $0x4000  }
0x124: {  	[sflag:s15] =	ssyncset.done $0x0  }
0x125: {  	s20 =	simm.s32 $0x0;
	[sflag:s15] =	ssyncadd.s32 $0xFFFFC000  }
0x126: {  	v0 =	vld [tilespmem:s20+$0x0];
	_ =	sdelay $0x7  }
0x127: {  	s22 =	simm.s32 $0x80;
	s21 =	simm.s32 $0x10;
	v0 =	vld.idx.msk [tilespmem:v0+s17+$0x0], $0xffff  }
.LBB2_31:
0x128: {  	p2 =	sne.s32 s22, $0x1FC0;
	v1 =	vld [tilespmem:s21+$0x0];
	_ =	sdelay $0x3  }
.Ltmp16:
0x129: {  	(pc) =	sbr.rel @p2 .LBB2_31-.Ltmp16, $2  }
0x12a: {  	[tilespmem:s20+$0x4800] =	vst v0;
	s20 =	smov.u32 s21;
	_ =	sdelay $0x2  }
0x12b: {  	s21 =	sshra.s32 s22, $0x2;
	s22 =	sadd.s32 $0x40, s22;
	v0 =	vld.idx.msk [tilespmem:v1+s17+$0x0], $0xffff  }
0x12c: {  	v1 =	vld [tilespmem:s21+$0x0];
	_ =	sdelay $0x6  }
0x12d: {  	[tilespmem:s20+$0x4800] =	vst v0  }
0x12e: {  	v0 =	vld.idx.msk [tilespmem:v1+s17+$0x0], $0xffff;
	_ =	sdelay $0x2  }
0x12f: {  	s24 =	sld [smem:$0x7FB];
	_ =	sdelay $0x1  }
0x130: {  	[tilespmem:s21+$0x4800] =	vst v0  }
0x131: {  	[hbm4b:s24+s30] =	stream.strided.scatter [tilespmem:s18], [sflag:$0x1], $0x800, s16, s30, $0x38;
	[tilespmem:$0x5000] =	vst v63  }
0x132: {  	_ =	swait.ge [sflag:s15], $0x800  }
0x133: {  	[sflag:s15] =	ssyncset.done $0x0  }
0x134: {  	s26 =	rddreg [dreg:$0x19];
	[sflag:s15] =	ssyncadd.s32 $0xFFFFF800  }
0x135: {  	[tilespmem:s17], [sflag:$0x1] =	stream.strided.gather [hbm4b:s26+s30], $0x4000, s16, s30, $0x38;
	[tilespmem:$0x5000] =	vst v63  }
0x136: {  	_ =	swait.ge [sflag:s15], $0x4000  }
0x137: {  	[sflag:s15] =	ssyncset.done $0x0  }
0x138: {  	s20 =	simm.s32 $0x0;
	[sflag:s15] =	ssyncadd.s32 $0xFFFFC000  }
0x139: {  	v0 =	vld [tilespmem:s20+$0x0];
	_ =	sdelay $0x7  }
0x13a: {  	s22 =	simm.s32 $0x80;
	s21 =	simm.s32 $0x10;
	v0 =	vld.idx.msk [tilespmem:v0+s17+$0x0], $0xffff  }
.LBB2_33:
0x13b: {  	p2 =	sne.s32 s22, $0x1FC0;
	v1 =	vld [tilespmem:s21+$0x0];
	_ =	sdelay $0x3  }
.Ltmp17:
0x13c: {  	(pc) =	sbr.rel @p2 .LBB2_33-.Ltmp17, $2  }
0x13d: {  	[tilespmem:s20+$0x4800] =	vst v0;
	s20 =	smov.u32 s21;
	_ =	sdelay $0x2  }
0x13e: {  	s21 =	sshra.s32 s22, $0x2;
	s22 =	sadd.s32 $0x40, s22;
	v0 =	vld.idx.msk [tilespmem:v1+s17+$0x0], $0xffff  }
0x13f: {  	v1 =	vld [tilespmem:s21+$0x0];
	_ =	sdelay $0x6  }
0x140: {  	[tilespmem:s20+$0x4800] =	vst v0  }
0x141: {  	v0 =	vld.idx.msk [tilespmem:v1+s17+$0x0], $0xffff;
	_ =	sdelay $0x4  }
0x142: {  	s20 =	rddreg [dreg:$0x1a];
	[tilespmem:s21+$0x4800] =	vst v0  }
.LBB2_35:
0x143: {  	s20 =	sadd.s32 s11, s20  }
0x144: {  	[hbm4b:s20+s30] =	stream.strided.scatter [tilespmem:s18], [sflag:$0x1], $0x800, s16, s30, $0x38;
	[tilespmem:$0x5000] =	vst v63  }
0x145: {  	_ =	swait.ge [sflag:s15], $0x800  }
0x146: {  	[sflag:s15] =	ssyncset.done $0x0  }
0x147: {  	[sflag:s15] =	ssyncadd.s32 $0xFFFFF800  }
.LBB2_36:
0x148: {  	s21 =	simm.s32 $0x0  }
.LBB2_37:
0x149: {  	s20 =	sadd.s32 s31, s21  }
0x14a: {  	s20 =	sshrl.u32 s20, $0x3  }
0x14b: {  	s22 =	sshll.u32 s21, $0x7;
	s23 =	sshll.u32 s20, $0x11  }
0x14c: {  	s22 =	sand.u32 $0x380, s22;
	s23 =	sadd.s32 s5, s23  }
0x14d: {  	s23 =	sor.u32 s22, s23  }
0x14e: {  	s23 =	sshrl.u32 s23, $0x3  }
0x14f: {  	s23 =	sadd.s32 s0, s23  }
0x150: {  	[tilespmem:s17], [sflag:$0x1] =	stream.strided.gather [hbm4b:s23+s30], $0x4000, s16, s30, $0x38;
	[tilespmem:$0x5000] =	vst v63  }
0x151: {  	_ =	swait.ge [sflag:s15], $0x4000  }
0x152: {  	[sflag:s15] =	ssyncset.done $0x0  }
0x153: {  	s24 =	simm.s32 $0x0;
	[sflag:s15] =	ssyncadd.s32 $0xFFFFC000  }
0x154: {  	v0 =	vld [tilespmem:s24+$0x0];
	_ =	sdelay $0x7  }
0x155: {  	s26 =	simm.s32 $0x80;
	s23 =	simm.s32 $0x10;
	v0 =	vld.idx.msk [tilespmem:v0+s17+$0x0], $0xffff  }
.LBB2_38:
0x156: {  	p2 =	sne.s32 s26, $0x1FC0;
	v1 =	vld [tilespmem:s23+$0x0];
	_ =	sdelay $0x3  }
.Ltmp18:
0x157: {  	(pc) =	sbr.rel @p2 .LBB2_38-.Ltmp18, $2  }
0x158: {  	[tilespmem:s24+$0x4800] =	vst v0;
	s24 =	smov.u32 s23;
	_ =	sdelay $0x2  }
0x159: {  	s23 =	sshra.s32 s26, $0x2;
	s26 =	sadd.s32 $0x40, s26;
	v0 =	vld.idx.msk [tilespmem:v1+s17+$0x0], $0xffff  }
0x15a: {  	v1 =	vld [tilespmem:s23+$0x0];
	_ =	sdelay $0x6  }
0x15b: {  	[tilespmem:s24+$0x4800] =	vst v0  }
0x15c: {  	v0 =	vld.idx.msk [tilespmem:v1+s17+$0x0], $0xffff  }
0x15d: {  	s20 =	sshll.u32 s20, $0xE  }
0x15e: {  	s20 =	sadd.s32 s10, s20  }
0x15f: {  	s21 =	sadd.s32 $0x1, s21;
	s20 =	sor.u32 s22, s20  }
0x160: {  	p2 =	sne.s32 s21, $0x40;
	s20 =	sshrl.u32 s20, $0x3  }
.Ltmp19:
0x161: {  	s20 =	sadd.s32 s4, s20;
	[tilespmem:s23+$0x4800] =	vst v0;
	(pc) =	sbr.rel @p2 .LBB2_37-.Ltmp19, $4  }
0x162: {  	[hbm4b:s20+s30] =	stream.strided.scatter [tilespmem:s18], [sflag:$0x1], $0x800, s16, s30, $0x38;
	[tilespmem:$0x5000] =	vst v63  }
0x163: {  	_ =	swait.ge [sflag:s15], $0x800  }
0x164: {  	[sflag:s15] =	ssyncset.done $0x0  }
0x165: {  	s20 =	simm.s32 $0x0;
	[sflag:s15] =	ssyncadd.s32 $0xFFFFF800  }
.LBB2_40:
0x166: {  	s21 =	sadd.s32 s31, s20  }
0x167: {  	s21 =	sshrl.u32 s21, $0x3  }
0x168: {  	s22 =	sshll.u32 s20, $0x7;
	s23 =	sshll.u32 s21, $0x11  }
0x169: {  	s22 =	sand.u32 $0x380, s22;
	s23 =	sadd.s32 s5, s23  }
0x16a: {  	s23 =	sor.u32 s22, s23  }
0x16b: {  	s23 =	sshrl.u32 s23, $0x3  }
0x16c: {  	s23 =	sadd.s32 s1, s23  }
0x16d: {  	[tilespmem:s17], [sflag:$0x1] =	stream.strided.gather [hbm4b:s23+s30], $0x4000, s16, s30, $0x38;
	[tilespmem:$0x5000] =	vst v63  }
0x16e: {  	_ =	swait.ge [sflag:s15], $0x4000  }
0x16f: {  	[sflag:s15] =	ssyncset.done $0x0  }
0x170: {  	s24 =	simm.s32 $0x0;
	[sflag:s15] =	ssyncadd.s32 $0xFFFFC000  }
0x171: {  	v0 =	vld [tilespmem:s24+$0x0];
	_ =	sdelay $0x7  }
0x172: {  	s26 =	simm.s32 $0x80;
	s23 =	simm.s32 $0x10;
	v0 =	vld.idx.msk [tilespmem:v0+s17+$0x0], $0xffff  }
.LBB2_41:
0x173: {  	p2 =	sne.s32 s26, $0x1FC0;
	v1 =	vld [tilespmem:s23+$0x0];
	_ =	sdelay $0x3  }
.Ltmp20:
0x174: {  	(pc) =	sbr.rel @p2 .LBB2_41-.Ltmp20, $2  }
0x175: {  	[tilespmem:s24+$0x4800] =	vst v0;
	s24 =	smov.u32 s23;
	_ =	sdelay $0x2  }
0x176: {  	s23 =	sshra.s32 s26, $0x2;
	s26 =	sadd.s32 $0x40, s26;
	v0 =	vld.idx.msk [tilespmem:v1+s17+$0x0], $0xffff  }
0x177: {  	v1 =	vld [tilespmem:s23+$0x0];
	_ =	sdelay $0x6  }
0x178: {  	[tilespmem:s24+$0x4800] =	vst v0  }
0x179: {  	v0 =	vld.idx.msk [tilespmem:v1+s17+$0x0], $0xffff  }
0x17a: {  	s21 =	sshll.u32 s21, $0xE  }
0x17b: {  	s21 =	sadd.s32 s10, s21  }
0x17c: {  	s20 =	sadd.s32 $0x1, s20;
	s21 =	sor.u32 s22, s21  }
0x17d: {  	p2 =	sne.s32 s20, $0x40;
	s21 =	sshrl.u32 s21, $0x3  }
.Ltmp21:
0x17e: {  	s21 =	sadd.s32 s6, s21;
	[tilespmem:s23+$0x4800] =	vst v0;
	(pc) =	sbr.rel @p2 .LBB2_40-.Ltmp21, $4  }
0x17f: {  	[hbm4b:s21+s30] =	stream.strided.scatter [tilespmem:s18], [sflag:$0x1], $0x800, s16, s30, $0x38;
	[tilespmem:$0x5000] =	vst v63  }
0x180: {  	_ =	swait.ge [sflag:s15], $0x800  }
0x181: {  	[sflag:s15] =	ssyncset.done $0x0  }
0x182: {  	s21 =	simm.s32 $0x0;
	[sflag:s15] =	ssyncadd.s32 $0xFFFFF800  }
.LBB2_43:
0x183: {  	s20 =	sadd.s32 s31, s21  }
0x184: {  	s20 =	sshrl.u32 s20, $0x3  }
0x185: {  	s22 =	sshll.u32 s21, $0x7;
	s23 =	sshll.u32 s20, $0x11  }
0x186: {  	s22 =	sand.u32 $0x380, s22;
	s23 =	sadd.s32 s5, s23  }
0x187: {  	s23 =	sor.u32 s22, s23  }
0x188: {  	s23 =	sshrl.u32 s23, $0x3  }
0x189: {  	s23 =	sadd.s32 s2, s23  }
0x18a: {  	[tilespmem:s17], [sflag:$0x1] =	stream.strided.gather [hbm4b:s23+s30], $0x4000, s16, s30, $0x38;
	[tilespmem:$0x5000] =	vst v63  }
0x18b: {  	_ =	swait.ge [sflag:s15], $0x4000  }
0x18c: {  	[sflag:s15] =	ssyncset.done $0x0  }
0x18d: {  	s24 =	simm.s32 $0x0;
	[sflag:s15] =	ssyncadd.s32 $0xFFFFC000  }
0x18e: {  	v0 =	vld [tilespmem:s24+$0x0];
	_ =	sdelay $0x7  }
0x18f: {  	s26 =	simm.s32 $0x80;
	s23 =	simm.s32 $0x10;
	v0 =	vld.idx.msk [tilespmem:v0+s17+$0x0], $0xffff  }
.LBB2_44:
0x190: {  	p2 =	sne.s32 s26, $0x1FC0;
	v1 =	vld [tilespmem:s23+$0x0];
	_ =	sdelay $0x3  }
.Ltmp22:
0x191: {  	(pc) =	sbr.rel @p2 .LBB2_44-.Ltmp22, $2  }
0x192: {  	[tilespmem:s24+$0x4800] =	vst v0;
	s24 =	smov.u32 s23;
	_ =	sdelay $0x2  }
0x193: {  	s23 =	sshra.s32 s26, $0x2;
	s26 =	sadd.s32 $0x40, s26;
	v0 =	vld.idx.msk [tilespmem:v1+s17+$0x0], $0xffff  }
0x194: {  	v1 =	vld [tilespmem:s23+$0x0];
	_ =	sdelay $0x6  }
0x195: {  	[tilespmem:s24+$0x4800] =	vst v0  }
0x196: {  	v0 =	vld.idx.msk [tilespmem:v1+s17+$0x0], $0xffff  }
0x197: {  	s20 =	sshll.u32 s20, $0xE  }
0x198: {  	s20 =	sadd.s32 s10, s20  }
0x199: {  	s21 =	sadd.s32 $0x1, s21;
	s20 =	sor.u32 s22, s20  }
0x19a: {  	p2 =	sne.s32 s21, $0x40;
	s20 =	sshrl.u32 s20, $0x3  }
.Ltmp23:
0x19b: {  	s20 =	sadd.s32 s7, s20;
	[tilespmem:s23+$0x4800] =	vst v0;
	(pc) =	sbr.rel @p2 .LBB2_43-.Ltmp23, $4  }
0x19c: {  	[hbm4b:s20+s30] =	stream.strided.scatter [tilespmem:s18], [sflag:$0x1], $0x800, s16, s30, $0x38;
	[tilespmem:$0x5000] =	vst v63  }
0x19d: {  	_ =	swait.ge [sflag:s15], $0x800  }
0x19e: {  	[sflag:s15] =	ssyncset.done $0x0  }
0x19f: {  	s20 =	simm.s32 $0x0;
	[sflag:s15] =	ssyncadd.s32 $0xFFFFF800  }
.LBB2_46:
0x1a0: {  	s21 =	sadd.s32 s31, s20  }
0x1a1: {  	s21 =	sshrl.u32 s21, $0x3  }
0x1a2: {  	s22 =	sshll.u32 s20, $0x7;
	s23 =	sshll.u32 s21, $0x11  }
0x1a3: {  	s22 =	sand.u32 $0x380, s22;
	s23 =	sadd.s32 s5, s23  }
0x1a4: {  	s23 =	sor.u32 s22, s23  }
0x1a5: {  	s23 =	sshrl.u32 s23, $0x3  }
0x1a6: {  	s23 =	sadd.s32 s3, s23  }
0x1a7: {  	[tilespmem:s17], [sflag:$0x1] =	stream.strided.gather [hbm4b:s23+s30], $0x4000, s16, s30, $0x38;
	[tilespmem:$0x5000] =	vst v63  }
0x1a8: {  	_ =	swait.ge [sflag:s15], $0x4000  }
0x1a9: {  	[sflag:s15] =	ssyncset.done $0x0  }
0x1aa: {  	s24 =	simm.s32 $0x0;
	[sflag:s15] =	ssyncadd.s32 $0xFFFFC000  }
0x1ab: {  	v0 =	vld [tilespmem:s24+$0x0];
	_ =	sdelay $0x7  }
0x1ac: {  	s26 =	simm.s32 $0x80;
	s23 =	simm.s32 $0x10;
	v0 =	vld.idx.msk [tilespmem:v0+s17+$0x0], $0xffff  }
.LBB2_47:
0x1ad: {  	p2 =	sne.s32 s26, $0x1FC0;
	v1 =	vld [tilespmem:s23+$0x0];
	_ =	sdelay $0x3  }
.Ltmp24:
0x1ae: {  	(pc) =	sbr.rel @p2 .LBB2_47-.Ltmp24, $2  }
0x1af: {  	[tilespmem:s24+$0x4800] =	vst v0;
	s24 =	smov.u32 s23;
	_ =	sdelay $0x2  }
0x1b0: {  	s23 =	sshra.s32 s26, $0x2;
	s26 =	sadd.s32 $0x40, s26;
	v0 =	vld.idx.msk [tilespmem:v1+s17+$0x0], $0xffff  }
0x1b1: {  	v1 =	vld [tilespmem:s23+$0x0];
	_ =	sdelay $0x6  }
0x1b2: {  	[tilespmem:s24+$0x4800] =	vst v0  }
0x1b3: {  	v0 =	vld.idx.msk [tilespmem:v1+s17+$0x0], $0xffff  }
0x1b4: {  	s21 =	sshll.u32 s21, $0xE  }
0x1b5: {  	s21 =	sadd.s32 s10, s21  }
0x1b6: {  	s20 =	sadd.s32 $0x1, s20;
	s21 =	sor.u32 s22, s21  }
0x1b7: {  	p2 =	sne.s32 s20, $0x40;
	s21 =	sshrl.u32 s21, $0x3  }
.Ltmp25:
0x1b8: {  	s21 =	sadd.s32 s8, s21;
	[tilespmem:s23+$0x4800] =	vst v0;
	(pc) =	sbr.rel @p2 .LBB2_46-.Ltmp25, $4  }
0x1b9: {  	[hbm4b:s21+s30] =	stream.strided.scatter [tilespmem:s18], [sflag:$0x1], $0x800, s16, s30, $0x38;
	[tilespmem:$0x5000] =	vst v63  }
0x1ba: {  	_ =	swait.ge [sflag:s15], $0x800  }
0x1bb: {  	[sflag:s15] =	ssyncset.done $0x0  }
0x1bc: {  	[sflag:s15] =	ssyncadd.s32 $0xFFFFF800  }
0x1bd: {  	s19 =	sadd.s32 $0x1, s19  }
0x1be: {  	p2 =	sne.s32 s19, s13  }
.Ltmp26:
0x1bf: {  	_ = 	snop;
	(pc) =	sbr.rel @p2 .LBB2_1-.Ltmp26, $1  }
0x1c0: {  	_ =	sdelay $0x3  }
0x1c1: {  	_ =	sfence.sel $0x180000  }
0x1c2: {  	[bflag:$0x0] =	sbarrier.arrive $0xFFFF  }
0x1c3: {  	_ =	strace $0x90000047  }
0x1c4: {  	s0 =	stileid.u32;
	[bflag:$0x2] =	sbarrier.arrive $0xFFFF  }
0x1c5: {  	p0 =	sne.s32 s0, $0x0;
	s0 =	rddreg [dreg:$0xd]  }
0x1c6: {  	s0 =	sadd.s32 @!p0 $0x100000, s0  }
0x1c7: {  	[sflag:s0] =	ssyncadd.tile.s32 @!p0 $0x1;
	_ =	shalt  }
.Lfunc_end2:
_tile_overlayer_lowered:
.L_overlay_start_2:
0x1c8: {  	(tag) =	ssettag $0x2  }
0x1c9: {  	s0 =	rddreg [dreg:$0x0];
	s2 =	stileid.u32  }
0x1ca: {  	s1 =	rddreg [dreg:$0x1];
	p0 =	sne.s32 s2, $0x0  }
0x1cb: {  	s3 =	rddreg [dreg:$0x2];
	[bflag:$0x3] =	sbarrier.arrive $0xFFFF;
	s2 =	simm.s32 @!p0 $0x1C01  }
0x1cc: {  	[timem:s3], [sflag:s2] =	dma.local @!p0 [hbm:s0], s1  }
0x1cd: {  	s0 =	simm.s32 @!p0 $0x1  }
0x1ce: {  	_ =	swait.ge @!p0 [sflag:s0], s1  }
0x1cf: {  	s1 =	ssub.s32 @!p0 $0x0, s1;
	[sflag:s0] =	ssyncset.done @!p0 $0x0  }
0x1d0: {  	[sflag:s0] =	ssyncadd.s32 @!p0 s1  }
0x1d1: {  	[bflag:$0x3] =	sbarrier.arrive $0xFFFF  }
0x1d2: {  	_ =	shalt  }

</sc_bundles>
